<compile_context>
chip_gen: v7x
topology: tpu7x:2x2x1
jax: 0.10.2.dev20260603
libtpu: 0.0.44.dev20260713+nightly
codegen_flags: <defaults>
</compile_context>

<pallas_src>
import functools

import jax
import jax.numpy as jnp
import numpy as np
from jax import lax
from jax.experimental import pallas as pl
from jax.experimental.pallas import tpu as pltpu
from jax.experimental.pallas import tpu_sc as plsc

_B = 16384
_NSP = 26
_EMB = 32
_VOCAB = 100000
_NF = 27
_ROWS = _B * _NSP

_NC = 2
_NSUB = 16
_NW = _NC * _NSUB
_RPW = _ROWS // _NW
_CH = 128
_NCH = _RPW // _CH

_BS = 1024
_NBLK = _B // _BS


_SCCH = 4
_SCH = _CH * _SCCH
_NSCH = _RPW // _SCH


def _sc_gather_body(tables_h, idx_h, out_h, idx_v, ra, rb, sga, sgb):
    c = lax.axis_index("c")
    s = lax.axis_index("s")
    wid = s * _NC + c
    pltpu.sync_copy(idx_h.at[wid], idx_v)
    base = wid * _RPW

    def fireblock(jj, buf, sem):
        for k in range(_SCCH):
            pltpu.async_copy(tables_h.at[idx_v.at[jj * _SCCH + k]],
                             buf.at[pl.ds(k * _CH, _CH)], sem)

    def drainblock(jj, buf, sem):
        for k in range(_SCCH):
            pltpu.make_async_copy(tables_h.at[idx_v.at[jj * _SCCH + k]],
                                  buf.at[pl.ds(k * _CH, _CH)], sem).wait()

    def wb(jj, buf):
        pltpu.sync_copy(buf, out_h.at[pl.ds(base + jj * _SCH, _SCH)])

    fireblock(0, ra, sga)

    def body(t, carry):
        j0 = 2 * t
        j1 = j0 + 1
        fireblock(j1, rb, sgb)
        drainblock(j0, ra, sga)
        wb(j0, ra)

        @pl.when(t < _NSCH // 2 - 1)
        def _():
            fireblock(j0 + 2, ra, sga)
        drainblock(j1, rb, sgb)
        wb(j1, rb)
        return carry

    lax.fori_loop(0, _NSCH // 2, body, 0)


@jax.jit
def _sc_gather(tables_flat, idx):
    mesh = plsc.VectorSubcoreMesh(
        core_axis_name="c", subcore_axis_name="s",
        num_cores=_NC, num_subcores=_NSUB)
    return pl.kernel(
        _sc_gather_body,
        out_type=jax.ShapeDtypeStruct((_ROWS, _EMB), jnp.float32),
        mesh=mesh,
        scratch_types=[
            pltpu.VMEM((_NCH, _CH), jnp.int32),
            pltpu.VMEM((_SCH, _EMB), jnp.float32),
            pltpu.VMEM((_SCH, _EMB), jnp.float32),
            pltpu.SemaphoreType.DMA,
            pltpu.SemaphoreType.DMA,
        ],
        compiler_params=pltpu.CompilerParams(use_tc_tiling_on_sc=False),
    )(tables_flat, idx)


def _tc_body(dense_r, embs_r, bw0_r, bb0_r, bw1_r, bb1_r, bw2_r, bb2_r,
             tw0z_r, w729_r, tb0_r, tw1_r, tb1_r, tw2_r, tb2_r, out_r):
    f32 = jnp.float32
    bf = jnp.bfloat16
    h = dense_r[...].astype(bf)
    h = jnp.dot(h, bw0_r[...], preferred_element_type=f32) + bb0_r[...][None, :]
    h = jnp.maximum(h, 0).astype(bf)
    h = jnp.dot(h, bw1_r[...], preferred_element_type=f32) + bb1_r[...][None, :]
    h = jnp.maximum(h, 0).astype(bf)
    h = jnp.dot(h, bw2_r[...], preferred_element_type=f32) + bb2_r[...][None, :]
    z0 = jnp.maximum(h, 0)
    z0b = z0.astype(bf)
    embs = embs_r[...].astype(bf)
    t2 = jnp.concatenate([z0b, embs], axis=1)
    t3 = t2.reshape(_BS, _NF, _EMB)
    z = lax.dot_general(t3, t3, (((2,), (2,)), ((0,), (0,))),
                        preferred_element_type=f32)
    zf = z.reshape(_BS, _NF * _NF).astype(bf)
    y = jnp.dot(z0b, tw0z_r[...], preferred_element_type=f32)
    y = y + jnp.dot(zf, w729_r[...], preferred_element_type=f32) + tb0_r[...][None, :]
    h = jnp.maximum(y, 0).astype(bf)
    h = jnp.dot(h, tw1_r[...], preferred_element_type=f32) + tb1_r[...][None, :]
    h = jnp.maximum(h, 0).astype(bf)
    o = jnp.dot(h, tw2_r[...], preferred_element_type=f32) + tb2_r[...][None, :]
    out_r[...] = jax.nn.sigmoid(o)


def _full(shape):
    return pl.BlockSpec(shape, lambda i: tuple(0 for _ in shape))


@jax.jit
def _tc_dense(dense, embs, bw0, bb0, bw1, bb1, bw2, bb2,
              tw0z, w729, tb0, tw1, tb1, tw2, tb2):
    return pl.pallas_call(
        _tc_body,
        grid=(_NBLK,),
        in_specs=[
            pl.BlockSpec((_BS, 13), lambda i: (i, 0)),
            pl.BlockSpec((_BS, _NSP * _EMB), lambda i: (i, 0)),
            _full((13, 512)), _full((512,)),
            _full((512, 256)), _full((256,)),
            _full((256, 32)), _full((32,)),
            _full((32, 512)), _full((_NF * _NF, 512)), _full((512,)),
            _full((512, 256)), _full((256,)),
            _full((256, 1)), _full((1,)),
        ],
        out_specs=pl.BlockSpec((_BS, 1), lambda i: (i, 0)),
        out_shape=jax.ShapeDtypeStruct((_B, 1), jnp.float32),
    )(dense, embs, bw0, bb0, bw1, bb1, bw2, bb2,
      tw0z, w729, tb0, tw1, tb1, tw2, tb2)


_IU0, _IU1 = np.triu_indices(_NF, k=1)
_W729_ROWS = np.asarray(_IU0 * _NF + _IU1, dtype=np.int32)


def kernel(dense, sparse, tables, bw0, bb0, bw1, bb1, bw2, bb2,
           tw0, tb0, tw1, tb1, tw2, tb2):
    idx = (sparse.astype(jnp.int32)
           + (jnp.arange(_NSP, dtype=jnp.int32) * _VOCAB)[None, :])
    idx = idx.reshape(_NW, _NCH, _CH)
    tables_flat = tables.reshape(_NSP * _VOCAB, _EMB)

    embs_flat = _sc_gather(tables_flat, idx)
    embs = embs_flat.reshape(_B, _NSP * _EMB)

    bf = jnp.bfloat16
    tw0z = tw0[:_EMB].astype(bf)
    w729 = jnp.zeros((_NF * _NF, 512), dtype=bf)
    w729 = w729.at[_W729_ROWS].set(tw0[_EMB:].astype(bf))

    out = _tc_dense(dense, embs,
                    bw0.astype(bf), bb0, bw1.astype(bf), bb1,
                    bw2.astype(bf), bb2,
                    tw0z, w729, tb0,
                    tw1.astype(bf), tb1, tw2.astype(bf), tb2)
    return out.reshape(_B)

# --- scband reference (transcript-rebuilt; emitter-appended) ---
"""Pipeline reference for scband-mini-dlrm-39891656245396 (READ-ONLY COPY).

The authoritative reference and input builder live on the scoring server;
editing this copy changes nothing except your own understanding.
"""

import jax, jax.numpy as jnp
import numpy as np

B = 16384
NUM_DENSE = 13
NUM_SPARSE = 26
EMB = 32
VOCAB = 100000
BOT_DIMS = [NUM_DENSE, 512, 256, 32]
PAIRWISE = (1 + NUM_SPARSE) * NUM_SPARSE // 2
TOP_DIMS = [32 + PAIRWISE, 512, 256, 1]


def setup_inputs(seed: int = 0) -> dict:
    key = jax.random.key(seed)
    ks = jax.random.split(key, 20)
    inp = {}
    inp['dense'] = jax.random.normal(ks[0], (B, NUM_DENSE), dtype=jnp.float32)
    inp['sparse'] = jax.random.randint(ks[1], (B, NUM_SPARSE), 0, VOCAB, dtype=jnp.int64) if jax.config.jax_enable_x64 else jax.random.randint(ks[1], (B, NUM_SPARSE), 0, VOCAB, dtype=jnp.int32)
    inp['tables'] = jax.random.normal(ks[2], (NUM_SPARSE, VOCAB, EMB), dtype=jnp.float32) * 0.02
    ki = 3
    for i in range(3):
        inp[f'bw{i}'] = jax.random.normal(ks[ki], (BOT_DIMS[i], BOT_DIMS[i + 1]), dtype=jnp.float32) * 0.02
        inp[f'bb{i}'] = jnp.zeros((BOT_DIMS[i + 1],), dtype=jnp.float32)
        ki += 1
    for i in range(3):
        inp[f'tw{i}'] = jax.random.normal(ks[ki], (TOP_DIMS[i], TOP_DIMS[i + 1]), dtype=jnp.float32) * 0.02
        inp[f'tb{i}'] = jnp.zeros((TOP_DIMS[i + 1],), dtype=jnp.float32)
        ki += 1
    return inp


def reference(dense, sparse, tables, bw0, bb0, bw1, bb1, bw2, bb2, tw0, tb0, tw1, tb1, tw2, tb2):
    # embedding lookups: one table per sparse field
    field_idx = jnp.arange(NUM_SPARSE)
    embs = tables[field_idx, sparse]  # [B, 26, EMB] gather
    # bottom MLP
    h = dense
    for W, b in ((bw0, bb0), (bw1, bb1), (bw2, bb2)):
        h = jax.nn.relu(h @ W + b)
    z0 = h  # [B, EMB]
    # dot interaction
    T = jnp.concatenate([z0[:, None, :], embs], axis=1)  # [B, 27, EMB]
    Z = jnp.einsum('bnd,bmd->bnm', T, T)
    iu0, iu1 = np.triu_indices(T.shape[1], k=1)
    zi = Z[:, iu0, iu1]  # [B, PAIRWISE]
    x = jnp.concatenate([z0, zi], axis=1)
    # top MLP
    h = jax.nn.relu(x @ tw0 + tb0)
    h = jax.nn.relu(h @ tw1 + tb1)
    out = h @ tw2 + tb2
    return jax.nn.sigmoid(out).squeeze(-1)

if __name__ == "__main__":
    import jax
    _d = setup_inputs()
    print(jax.jit(kernel)(*tuple(_d.values())))

</pallas_src>

<mosaic_0001>
#map = affine_map<(d0, d1) -> (0, 0)>
#map1 = affine_map<(d0, d1) -> (0, 0, 0)>
module attributes {stable_mosaic.version = 14 : i64} {
  func.func @_sc_gather_body(%arg0: i32, %arg1: i32, %arg2: memref<2600000x32xf32, #tpu.memory_space<hbm>>, %arg3: memref<32x104x128xi32, #tpu.memory_space<hbm>>, %arg4: memref<425984x32xf32, #tpu.memory_space<hbm>>, %arg5: memref<104x128xi32, #tpu.memory_space<vmem>>, %arg6: memref<512x32xf32, #tpu.memory_space<vmem>>, %arg7: memref<512x32xf32, #tpu.memory_space<vmem>>, %arg8: memref<!tpu.dma_semaphore, #tpu.memory_space<semaphore_mem>>, %arg9: memref<!tpu.dma_semaphore, #tpu.memory_space<semaphore_mem>>) attributes {dimension_semantics = [#tpu.dimension_semantics<core_parallel>, #tpu.dimension_semantics<subcore_parallel>], iteration_bounds = array<i64: 2, 16>, scalar_prefetch = 0 : i64, scratch_operands = 5 : i64, tpu.core_type = #tpu.core_type<sc_vector_subcore>, window_params = [{transform_indices = #map}, {transform_indices = #map1}, {transform_indices = #map}]} {
    %mul3A = arith.constant 2 : i32
    %mul3A_0 = arith.muli %arg1, %mul3A : i32
    %add3A = arith.addi %mul3A_0, %arg0 : i32
    "tpu.region"() ({
      %run_scoped3A = tpu.sem_alloc : memref<!tpu.dma_semaphore, #tpu.memory_space<semaphore_mem>>
      %dma_start3A_47 = arith.constant 0 : i32
      %dma_start3A_48 = arith.constant 0 : i32
      %dma_start3A_49 = tpu.memref_slice %arg3[%add3A, %dma_start3A_47, %dma_start3A_48] : memref<32x104x128xi32, #tpu.memory_space<hbm>> -> memref<1x104x128xi32, #tpu.memory_space<hbm>>
      %dma_start3A_50 = tpu.memref_squeeze %dma_start3A_49 : memref<1x104x128xi32, #tpu.memory_space<hbm>> -> memref<104x128xi32, #tpu.memory_space<hbm>>
      %dma_start3A_51 = arith.constant 0 : i32
      %dma_start3A_52 = arith.constant 0 : i32
      %dma_start3A_53 = tpu.memref_slice %arg3[%add3A, %dma_start3A_51, %dma_start3A_52] : memref<32x104x128xi32, #tpu.memory_space<hbm>> -> memref<1x104x128xi32, #tpu.memory_space<hbm>>
      %dma_start3A_54 = tpu.memref_squeeze %dma_start3A_53 : memref<1x104x128xi32, #tpu.memory_space<hbm>> -> memref<104x128xi32, #tpu.memory_space<hbm>>
      tpu.enqueue_dma source(%dma_start3A_54 : memref<104x128xi32, #tpu.memory_space<hbm>>) target(%arg5 : memref<104x128xi32, #tpu.memory_space<vmem>>) target_semaphore(%run_scoped3A : memref<!tpu.dma_semaphore, #tpu.memory_space<semaphore_mem>>)
      %dma_wait3A = arith.constant 0 : i32
      %dma_wait3A_55 = arith.constant 0 : i32
      %dma_wait3A_56 = tpu.memref_slice %arg3[%add3A, %dma_wait3A, %dma_wait3A_55] : memref<32x104x128xi32, #tpu.memory_space<hbm>> -> memref<1x104x128xi32, #tpu.memory_space<hbm>>
      %dma_wait3A_57 = tpu.memref_squeeze %dma_wait3A_56 : memref<1x104x128xi32, #tpu.memory_space<hbm>> -> memref<104x128xi32, #tpu.memory_space<hbm>>
      %dma_wait3A_58 = arith.constant 0 : i32
      %dma_wait3A_59 = arith.constant 0 : i32
      %dma_wait3A_60 = tpu.memref_slice %arg3[%add3A, %dma_wait3A_58, %dma_wait3A_59] : memref<32x104x128xi32, #tpu.memory_space<hbm>> -> memref<1x104x128xi32, #tpu.memory_space<hbm>>
      %dma_wait3A_61 = tpu.memref_squeeze %dma_wait3A_60 : memref<1x104x128xi32, #tpu.memory_space<hbm>> -> memref<104x128xi32, #tpu.memory_space<hbm>>
      tpu.wait_dma2 semaphore(%run_scoped3A : memref<!tpu.dma_semaphore, #tpu.memory_space<semaphore_mem>>) src(%dma_wait3A_61 : memref<104x128xi32, #tpu.memory_space<hbm>>) dst(%arg5 : memref<104x128xi32, #tpu.memory_space<vmem>>)
      tpu.yield
    }) : () -> ()
    %mul3A_1 = arith.constant 13312 : i32
    %mul3A_2 = arith.muli %add3A, %mul3A_1 : i32
    %dma_start3A = arith.constant 0 : i32
    %dma_start3A_3 = arith.constant 0 : i32
    %dma_start3A_4 = arith.constant 0 : i32
    %dma_start3A_5 = tpu.memref_slice %arg6[%dma_start3A_3, %dma_start3A_4] : memref<512x32xf32, #tpu.memory_space<vmem>> -> memref<128x32xf32, #tpu.memory_space<vmem>>
    %dma_start3A_6 = arith.constant 0 : i32
    %dma_start3A_7 = tpu.memref_slice %arg5[%dma_start3A, %dma_start3A_6] : memref<104x128xi32, #tpu.memory_space<vmem>> -> memref<1x128xi32, #tpu.memory_space<vmem>>
    %dma_start3A_8 = tpu.memref_squeeze %dma_start3A_7 : memref<1x128xi32, #tpu.memory_space<vmem>> -> memref<128xi32, #tpu.memory_space<vmem>>
    %dma_start3A_9 = arith.constant 0 : i32
    %dma_start3A_10 = arith.constant 0 : i32
    %dma_start3A_11 = tpu.memref_slice %arg2[%dma_start3A_9, %dma_start3A_10] : memref<2600000x32xf32, #tpu.memory_space<hbm>> -> memref<2600000x32xf32, #tpu.memory_space<hbm>>
    tpu.enqueue_indirect_dma source(%dma_start3A_11 : memref<2600000x32xf32, #tpu.memory_space<hbm>>) target(%dma_start3A_5 : memref<128x32xf32, #tpu.memory_space<vmem>>) offsets(%dma_start3A_8 : memref<128xi32, #tpu.memory_space<vmem>>) semaphore(%arg8 : memref<!tpu.dma_semaphore, #tpu.memory_space<semaphore_mem>>)
    %dma_start3A_12 = arith.constant 1 : i32
    %dma_start3A_13 = arith.constant 128 : i32
    %dma_start3A_14 = arith.constant 0 : i32
    %dma_start3A_15 = tpu.memref_slice %arg6[%dma_start3A_13, %dma_start3A_14] : memref<512x32xf32, #tpu.memory_space<vmem>> -> memref<128x32xf32, #tpu.memory_space<vmem>>
    %dma_start3A_16 = arith.constant 0 : i32
    %dma_start3A_17 = tpu.memref_slice %arg5[%dma_start3A_12, %dma_start3A_16] : memref<104x128xi32, #tpu.memory_space<vmem>> -> memref<1x128xi32, #tpu.memory_space<vmem>>
    %dma_start3A_18 = tpu.memref_squeeze %dma_start3A_17 : memref<1x128xi32, #tpu.memory_space<vmem>> -> memref<128xi32, #tpu.memory_space<vmem>>
    %dma_start3A_19 = arith.constant 0 : i32
    %dma_start3A_20 = arith.constant 0 : i32
    %dma_start3A_21 = tpu.memref_slice %arg2[%dma_start3A_19, %dma_start3A_20] : memref<2600000x32xf32, #tpu.memory_space<hbm>> -> memref<2600000x32xf32, #tpu.memory_space<hbm>>
    tpu.enqueue_indirect_dma source(%dma_start3A_21 : memref<2600000x32xf32, #tpu.memory_space<hbm>>) target(%dma_start3A_15 : memref<128x32xf32, #tpu.memory_space<vmem>>) offsets(%dma_start3A_18 : memref<128xi32, #tpu.memory_space<vmem>>) semaphore(%arg8 : memref<!tpu.dma_semaphore, #tpu.memory_space<semaphore_mem>>)
    %dma_start3A_22 = arith.constant 2 : i32
    %dma_start3A_23 = arith.constant 256 : i32
    %dma_start3A_24 = arith.constant 0 : i32
    %dma_start3A_25 = tpu.memref_slice %arg6[%dma_start3A_23, %dma_start3A_24] : memref<512x32xf32, #tpu.memory_space<vmem>> -> memref<128x32xf32, #tpu.memory_space<vmem>>
    %dma_start3A_26 = arith.constant 0 : i32
    %dma_start3A_27 = tpu.memref_slice %arg5[%dma_start3A_22, %dma_start3A_26] : memref<104x128xi32, #tpu.memory_space<vmem>> -> memref<1x128xi32, #tpu.memory_space<vmem>>
    %dma_start3A_28 = tpu.memref_squeeze %dma_start3A_27 : memref<1x128xi32, #tpu.memory_space<vmem>> -> memref<128xi32, #tpu.memory_space<vmem>>
    %dma_start3A_29 = arith.constant 0 : i32
    %dma_start3A_30 = arith.constant 0 : i32
    %dma_start3A_31 = tpu.memref_slice %arg2[%dma_start3A_29, %dma_start3A_30] : memref<2600000x32xf32, #tpu.memory_space<hbm>> -> memref<2600000x32xf32, #tpu.memory_space<hbm>>
    tpu.enqueue_indirect_dma source(%dma_start3A_31 : memref<2600000x32xf32, #tpu.memory_space<hbm>>) target(%dma_start3A_25 : memref<128x32xf32, #tpu.memory_space<vmem>>) offsets(%dma_start3A_28 : memref<128xi32, #tpu.memory_space<vmem>>) semaphore(%arg8 : memref<!tpu.dma_semaphore, #tpu.memory_space<semaphore_mem>>)
    %dma_start3A_32 = arith.constant 3 : i32
    %dma_start3A_33 = arith.constant 384 : i32
    %dma_start3A_34 = arith.constant 0 : i32
    %dma_start3A_35 = tpu.memref_slice %arg6[%dma_start3A_33, %dma_start3A_34] : memref<512x32xf32, #tpu.memory_space<vmem>> -> memref<128x32xf32, #tpu.memory_space<vmem>>
    %dma_start3A_36 = arith.constant 0 : i32
    %dma_start3A_37 = tpu.memref_slice %arg5[%dma_start3A_32, %dma_start3A_36] : memref<104x128xi32, #tpu.memory_space<vmem>> -> memref<1x128xi32, #tpu.memory_space<vmem>>
    %dma_start3A_38 = tpu.memref_squeeze %dma_start3A_37 : memref<1x128xi32, #tpu.memory_space<vmem>> -> memref<128xi32, #tpu.memory_space<vmem>>
    %dma_start3A_39 = arith.constant 0 : i32
    %dma_start3A_40 = arith.constant 0 : i32
    %dma_start3A_41 = tpu.memref_slice %arg2[%dma_start3A_39, %dma_start3A_40] : memref<2600000x32xf32, #tpu.memory_space<hbm>> -> memref<2600000x32xf32, #tpu.memory_space<hbm>>
    tpu.enqueue_indirect_dma source(%dma_start3A_41 : memref<2600000x32xf32, #tpu.memory_space<hbm>>) target(%dma_start3A_35 : memref<128x32xf32, #tpu.memory_space<vmem>>) offsets(%dma_start3A_38 : memref<128xi32, #tpu.memory_space<vmem>>) semaphore(%arg8 : memref<!tpu.dma_semaphore, #tpu.memory_space<semaphore_mem>>)
    %scan3A = arith.constant 0 : i32
    %scan3A_42 = arith.constant 0 : i32
    %scan3A_43 = arith.constant 13 : i32
    %scan3A_44 = arith.addi %scan3A_42, %scan3A_43 : i32
    %scan3A_45 = arith.constant 1 : i32
    scf.for %scan3A_47 = %scan3A_42 to %scan3A_44 step %scan3A_45  : i32 {
      %mul3A_48 = arith.constant 2 : i32
      %mul3A_49 = arith.muli %mul3A_48, %scan3A_47 : i32
      %add3A_50 = arith.constant 1 : i32
      %add3A_51 = arith.addi %mul3A_49, %add3A_50 : i32
      %mul3A_52 = arith.constant 4 : i32
      %mul3A_53 = arith.muli %add3A_51, %mul3A_52 : i32
      %add3A_54 = arith.constant 0 : i32
      %add3A_55 = arith.addi %mul3A_53, %add3A_54 : i32
      %dma_start3A_56 = arith.constant 0 : i32
      %dma_start3A_57 = arith.constant 0 : i32
      %dma_start3A_58 = tpu.memref_slice %arg7[%dma_start3A_56, %dma_start3A_57] : memref<512x32xf32, #tpu.memory_space<vmem>> -> memref<128x32xf32, #tpu.memory_space<vmem>>
      %dma_start3A_59 = arith.constant 0 : i32
      %dma_start3A_60 = tpu.memref_slice %arg5[%add3A_55, %dma_start3A_59] : memref<104x128xi32, #tpu.memory_space<vmem>> -> memref<1x128xi32, #tpu.memory_space<vmem>>
      %dma_start3A_61 = tpu.memref_squeeze %dma_start3A_60 : memref<1x128xi32, #tpu.memory_space<vmem>> -> memref<128xi32, #tpu.memory_space<vmem>>
      %dma_start3A_62 = arith.constant 0 : i32
      %dma_start3A_63 = arith.constant 0 : i32
      %dma_start3A_64 = tpu.memref_slice %arg2[%dma_start3A_62, %dma_start3A_63] : memref<2600000x32xf32, #tpu.memory_space<hbm>> -> memref<2600000x32xf32, #tpu.memory_space<hbm>>
      tpu.enqueue_indirect_dma source(%dma_start3A_64 : memref<2600000x32xf32, #tpu.memory_space<hbm>>) target(%dma_start3A_58 : memref<128x32xf32, #tpu.memory_space<vmem>>) offsets(%dma_start3A_61 : memref<128xi32, #tpu.memory_space<vmem>>) semaphore(%arg9 : memref<!tpu.dma_semaphore, #tpu.memory_space<semaphore_mem>>)
      %mul3A_65 = arith.constant 4 : i32
      %mul3A_66 = arith.muli %add3A_51, %mul3A_65 : i32
      %add3A_67 = arith.constant 1 : i32
      %add3A_68 = arith.addi %mul3A_66, %add3A_67 : i32
      %dma_start3A_69 = arith.constant 128 : i32
      %dma_start3A_70 = arith.constant 0 : i32
      %dma_start3A_71 = tpu.memref_slice %arg7[%dma_start3A_69, %dma_start3A_70] : memref<512x32xf32, #tpu.memory_space<vmem>> -> memref<128x32xf32, #tpu.memory_space<vmem>>
      %dma_start3A_72 = arith.constant 0 : i32
      %dma_start3A_73 = tpu.memref_slice %arg5[%add3A_68, %dma_start3A_72] : memref<104x128xi32, #tpu.memory_space<vmem>> -> memref<1x128xi32, #tpu.memory_space<vmem>>
      %dma_start3A_74 = tpu.memref_squeeze %dma_start3A_73 : memref<1x128xi32, #tpu.memory_space<vmem>> -> memref<128xi32, #tpu.memory_space<vmem>>
      %dma_start3A_75 = arith.constant 0 : i32
      %dma_start3A_76 = arith.constant 0 : i32
      %dma_start3A_77 = tpu.memref_slice %arg2[%dma_start3A_75, %dma_start3A_76] : memref<2600000x32xf32, #tpu.memory_space<hbm>> -> memref<2600000x32xf32, #tpu.memory_space<hbm>>
      tpu.enqueue_indirect_dma source(%dma_start3A_77 : memref<2600000x32xf32, #tpu.memory_space<hbm>>) target(%dma_start3A_71 : memref<128x32xf32, #tpu.memory_space<vmem>>) offsets(%dma_start3A_74 : memref<128xi32, #tpu.memory_space<vmem>>) semaphore(%arg9 : memref<!tpu.dma_semaphore, #tpu.memory_space<semaphore_mem>>)
      %mul3A_78 = arith.constant 4 : i32
      %mul3A_79 = arith.muli %add3A_51, %mul3A_78 : i32
      %add3A_80 = arith.constant 2 : i32
      %add3A_81 = arith.addi %mul3A_79, %add3A_80 : i32
      %dma_start3A_82 = arith.constant 256 : i32
      %dma_start3A_83 = arith.constant 0 : i32
      %dma_start3A_84 = tpu.memref_slice %arg7[%dma_start3A_82, %dma_start3A_83] : memref<512x32xf32, #tpu.memory_space<vmem>> -> memref<128x32xf32, #tpu.memory_space<vmem>>
      %dma_start3A_85 = arith.constant 0 : i32
      %dma_start3A_86 = tpu.memref_slice %arg5[%add3A_81, %dma_start3A_85] : memref<104x128xi32, #tpu.memory_space<vmem>> -> memref<1x128xi32, #tpu.memory_space<vmem>>
      %dma_start3A_87 = tpu.memref_squeeze %dma_start3A_86 : memref<1x128xi32, #tpu.memory_space<vmem>> -> memref<128xi32, #tpu.memory_space<vmem>>
      %dma_start3A_88 = arith.constant 0 : i32
      %dma_start3A_89 = arith.constant 0 : i32
      %dma_start3A_90 = tpu.memref_slice %arg2[%dma_start3A_88, %dma_start3A_89] : memref<2600000x32xf32, #tpu.memory_space<hbm>> -> memref<2600000x32xf32, #tpu.memory_space<hbm>>
      tpu.enqueue_indirect_dma source(%dma_start3A_90 : memref<2600000x32xf32, #tpu.memory_space<hbm>>) target(%dma_start3A_84 : memref<128x32xf32, #tpu.memory_space<vmem>>) offsets(%dma_start3A_87 : memref<128xi32, #tpu.memory_space<vmem>>) semaphore(%arg9 : memref<!tpu.dma_semaphore, #tpu.memory_space<semaphore_mem>>)
      %mul3A_91 = arith.constant 4 : i32
      %mul3A_92 = arith.muli %add3A_51, %mul3A_91 : i32
      %add3A_93 = arith.constant 3 : i32
      %add3A_94 = arith.addi %mul3A_92, %add3A_93 : i32
      %dma_start3A_95 = arith.constant 384 : i32
      %dma_start3A_96 = arith.constant 0 : i32
      %dma_start3A_97 = tpu.memref_slice %arg7[%dma_start3A_95, %dma_start3A_96] : memref<512x32xf32, #tpu.memory_space<vmem>> -> memref<128x32xf32, #tpu.memory_space<vmem>>
      %dma_start3A_98 = arith.constant 0 : i32
      %dma_start3A_99 = tpu.memref_slice %arg5[%add3A_94, %dma_start3A_98] : memref<104x128xi32, #tpu.memory_space<vmem>> -> memref<1x128xi32, #tpu.memory_space<vmem>>
      %dma_start3A_100 = tpu.memref_squeeze %dma_start3A_99 : memref<1x128xi32, #tpu.memory_space<vmem>> -> memref<128xi32, #tpu.memory_space<vmem>>
      %dma_start3A_101 = arith.constant 0 : i32
      %dma_start3A_102 = arith.constant 0 : i32
      %dma_start3A_103 = tpu.memref_slice %arg2[%dma_start3A_101, %dma_start3A_102] : memref<2600000x32xf32, #tpu.memory_space<hbm>> -> memref<2600000x32xf32, #tpu.memory_space<hbm>>
      tpu.enqueue_indirect_dma source(%dma_start3A_103 : memref<2600000x32xf32, #tpu.memory_space<hbm>>) target(%dma_start3A_97 : memref<128x32xf32, #tpu.memory_space<vmem>>) offsets(%dma_start3A_100 : memref<128xi32, #tpu.memory_space<vmem>>) semaphore(%arg9 : memref<!tpu.dma_semaphore, #tpu.memory_space<semaphore_mem>>)
      %mul3A_104 = arith.constant 4 : i32
      %mul3A_105 = arith.muli %mul3A_49, %mul3A_104 : i32
      %add3A_106 = arith.constant 0 : i32
      %add3A_107 = arith.addi %mul3A_105, %add3A_106 : i32
      %dma_wait3A = arith.constant 0 : i32
      %dma_wait3A_108 = arith.constant 0 : i32
      %dma_wait3A_109 = tpu.memref_slice %arg6[%dma_wait3A, %dma_wait3A_108] : memref<512x32xf32, #tpu.memory_space<vmem>> -> memref<128x32xf32, #tpu.memory_space<vmem>>
      %dma_wait3A_110 = arith.constant 0 : i32
      %dma_wait3A_111 = tpu.memref_slice %arg5[%add3A_107, %dma_wait3A_110] : memref<104x128xi32, #tpu.memory_space<vmem>> -> memref<1x128xi32, #tpu.memory_space<vmem>>
      %dma_wait3A_112 = tpu.memref_squeeze %dma_wait3A_111 : memref<1x128xi32, #tpu.memory_space<vmem>> -> memref<128xi32, #tpu.memory_space<vmem>>
      %dma_wait3A_113 = arith.constant 0 : i32
      %dma_wait3A_114 = arith.constant 0 : i32
      %dma_wait3A_115 = tpu.memref_slice %arg2[%dma_wait3A_113, %dma_wait3A_114] : memref<2600000x32xf32, #tpu.memory_space<hbm>> -> memref<2600000x32xf32, #tpu.memory_space<hbm>>
      tpu.wait_indirect_dma semaphore(%arg8 : memref<!tpu.dma_semaphore, #tpu.memory_space<semaphore_mem>>) src(%dma_wait3A_115 : memref<2600000x32xf32, #tpu.memory_space<hbm>>) dst(%dma_wait3A_109 : memref<128x32xf32, #tpu.memory_space<vmem>>)
      %mul3A_116 = arith.constant 4 : i32
      %mul3A_117 = arith.muli %mul3A_49, %mul3A_116 : i32
      %add3A_118 = arith.constant 1 : i32
      %add3A_119 = arith.addi %mul3A_117, %add3A_118 : i32
      %dma_wait3A_120 = arith.constant 128 : i32
      %dma_wait3A_121 = arith.constant 0 : i32
      %dma_wait3A_122 = tpu.memref_slice %arg6[%dma_wait3A_120, %dma_wait3A_121] : memref<512x32xf32, #tpu.memory_space<vmem>> -> memref<128x32xf32, #tpu.memory_space<vmem>>
      %dma_wait3A_123 = arith.constant 0 : i32
      %dma_wait3A_124 = tpu.memref_slice %arg5[%add3A_119, %dma_wait3A_123] : memref<104x128xi32, #tpu.memory_space<vmem>> -> memref<1x128xi32, #tpu.memory_space<vmem>>
      %dma_wait3A_125 = tpu.memref_squeeze %dma_wait3A_124 : memref<1x128xi32, #tpu.memory_space<vmem>> -> memref<128xi32, #tpu.memory_space<vmem>>
      %dma_wait3A_126 = arith.constant 0 : i32
      %dma_wait3A_127 = arith.constant 0 : i32
      %dma_wait3A_128 = tpu.memref_slice %arg2[%dma_wait3A_126, %dma_wait3A_127] : memref<2600000x32xf32, #tpu.memory_space<hbm>> -> memref<2600000x32xf32, #tpu.memory_space<hbm>>
      tpu.wait_indirect_dma semaphore(%arg8 : memref<!tpu.dma_semaphore, #tpu.memory_space<semaphore_mem>>) src(%dma_wait3A_128 : memref<2600000x32xf32, #tpu.memory_space<hbm>>) dst(%dma_wait3A_122 : memref<128x32xf32, #tpu.memory_space<vmem>>)
      %mul3A_129 = arith.constant 4 : i32
      %mul3A_130 = arith.muli %mul3A_49, %mul3A_129 : i32
      %add3A_131 = arith.constant 2 : i32
      %add3A_132 = arith.addi %mul3A_130, %add3A_131 : i32
      %dma_wait3A_133 = arith.constant 256 : i32
      %dma_wait3A_134 = arith.constant 0 : i32
      %dma_wait3A_135 = tpu.memref_slice %arg6[%dma_wait3A_133, %dma_wait3A_134] : memref<512x32xf32, #tpu.memory_space<vmem>> -> memref<128x32xf32, #tpu.memory_space<vmem>>
      %dma_wait3A_136 = arith.constant 0 : i32
      %dma_wait3A_137 = tpu.memref_slice %arg5[%add3A_132, %dma_wait3A_136] : memref<104x128xi32, #tpu.memory_space<vmem>> -> memref<1x128xi32, #tpu.memory_space<vmem>>
      %dma_wait3A_138 = tpu.memref_squeeze %dma_wait3A_137 : memref<1x128xi32, #tpu.memory_space<vmem>> -> memref<128xi32, #tpu.memory_space<vmem>>
      %dma_wait3A_139 = arith.constant 0 : i32
      %dma_wait3A_140 = arith.constant 0 : i32
      %dma_wait3A_141 = tpu.memref_slice %arg2[%dma_wait3A_139, %dma_wait3A_140] : memref<2600000x32xf32, #tpu.memory_space<hbm>> -> memref<2600000x32xf32, #tpu.memory_space<hbm>>
      tpu.wait_indirect_dma semaphore(%arg8 : memref<!tpu.dma_semaphore, #tpu.memory_space<semaphore_mem>>) src(%dma_wait3A_141 : memref<2600000x32xf32, #tpu.memory_space<hbm>>) dst(%dma_wait3A_135 : memref<128x32xf32, #tpu.memory_space<vmem>>)
      %mul3A_142 = arith.constant 4 : i32
      %mul3A_143 = arith.muli %mul3A_49, %mul3A_142 : i32
      %add3A_144 = arith.constant 3 : i32
      %add3A_145 = arith.addi %mul3A_143, %add3A_144 : i32
      %dma_wait3A_146 = arith.constant 384 : i32
      %dma_wait3A_147 = arith.constant 0 : i32
      %dma_wait3A_148 = tpu.memref_slice %arg6[%dma_wait3A_146, %dma_wait3A_147] : memref<512x32xf32, #tpu.memory_space<vmem>> -> memref<128x32xf32, #tpu.memory_space<vmem>>
      %dma_wait3A_149 = arith.constant 0 : i32
      %dma_wait3A_150 = tpu.memref_slice %arg5[%add3A_145, %dma_wait3A_149] : memref<104x128xi32, #tpu.memory_space<vmem>> -> memref<1x128xi32, #tpu.memory_space<vmem>>
      %dma_wait3A_151 = tpu.memref_squeeze %dma_wait3A_150 : memref<1x128xi32, #tpu.memory_space<vmem>> -> memref<128xi32, #tpu.memory_space<vmem>>
      %dma_wait3A_152 = arith.constant 0 : i32
      %dma_wait3A_153 = arith.constant 0 : i32
      %dma_wait3A_154 = tpu.memref_slice %arg2[%dma_wait3A_152, %dma_wait3A_153] : memref<2600000x32xf32, #tpu.memory_space<hbm>> -> memref<2600000x32xf32, #tpu.memory_space<hbm>>
      tpu.wait_indirect_dma semaphore(%arg8 : memref<!tpu.dma_semaphore, #tpu.memory_space<semaphore_mem>>) src(%dma_wait3A_154 : memref<2600000x32xf32, #tpu.memory_space<hbm>>) dst(%dma_wait3A_148 : memref<128x32xf32, #tpu.memory_space<vmem>>)
      %mul3A_155 = arith.constant 512 : i32
      %mul3A_156 = arith.muli %mul3A_49, %mul3A_155 : i32
      %add3A_157 = arith.addi %mul3A_2, %mul3A_156 : i32
      "tpu.region"() ({
        %run_scoped3A = tpu.sem_alloc : memref<!tpu.dma_semaphore, #tpu.memory_space<semaphore_mem>>
        %dma_start3A_215 = arith.constant 0 : i32
        %dma_start3A_216 = tpu.memref_slice %arg4[%add3A_157, %dma_start3A_215] : memref<425984x32xf32, #tpu.memory_space<hbm>> -> memref<512x32xf32, #tpu.memory_space<hbm>>
        %dma_start3A_217 = arith.constant 0 : i32
        %dma_start3A_218 = tpu.memref_slice %arg4[%add3A_157, %dma_start3A_217] : memref<425984x32xf32, #tpu.memory_space<hbm>> -> memref<512x32xf32, #tpu.memory_space<hbm>>
        tpu.enqueue_dma source(%arg6 : memref<512x32xf32, #tpu.memory_space<vmem>>) target(%dma_start3A_218 : memref<512x32xf32, #tpu.memory_space<hbm>>) target_semaphore(%run_scoped3A : memref<!tpu.dma_semaphore, #tpu.memory_space<semaphore_mem>>)
        %dma_wait3A_219 = arith.constant 0 : i32
        %dma_wait3A_220 = tpu.memref_slice %arg4[%add3A_157, %dma_wait3A_219] : memref<425984x32xf32, #tpu.memory_space<hbm>> -> memref<512x32xf32, #tpu.memory_space<hbm>>
        %dma_wait3A_221 = arith.constant 0 : i32
        %dma_wait3A_222 = tpu.memref_slice %arg4[%add3A_157, %dma_wait3A_221] : memref<425984x32xf32, #tpu.memory_space<hbm>> -> memref<512x32xf32, #tpu.memory_space<hbm>>
        tpu.wait_dma2 semaphore(%run_scoped3A : memref<!tpu.dma_semaphore, #tpu.memory_space<semaphore_mem>>) src(%arg6 : memref<512x32xf32, #tpu.memory_space<vmem>>) dst(%dma_wait3A_222 : memref<512x32xf32, #tpu.memory_space<hbm>>)
        tpu.yield
      }) : () -> ()
      %lt3A = arith.constant 12 : i32
      %lt3A_158 = arith.cmpi slt, %scan3A_47, %lt3A : i32
      %convert_element_type3A = arith.extui %lt3A_158 : i1 to i32
      %cond3A = arith.constant 0 : i32
      %cond3A_159 = arith.cmpi ne, %convert_element_type3A, %cond3A : i32
      scf.if %cond3A_159 {
        %add3A_215 = arith.constant 2 : i32
        %add3A_216 = arith.addi %mul3A_49, %add3A_215 : i32
        %mul3A_217 = arith.constant 4 : i32
        %mul3A_218 = arith.muli %add3A_216, %mul3A_217 : i32
        %add3A_219 = arith.constant 0 : i32
        %add3A_220 = arith.addi %mul3A_218, %add3A_219 : i32
        %dma_start3A_221 = arith.constant 0 : i32
        %dma_start3A_222 = arith.constant 0 : i32
        %dma_start3A_223 = tpu.memref_slice %arg6[%dma_start3A_221, %dma_start3A_222] : memref<512x32xf32, #tpu.memory_space<vmem>> -> memref<128x32xf32, #tpu.memory_space<vmem>>
        %dma_start3A_224 = arith.constant 0 : i32
        %dma_start3A_225 = tpu.memref_slice %arg5[%add3A_220, %dma_start3A_224] : memref<104x128xi32, #tpu.memory_space<vmem>> -> memref<1x128xi32, #tpu.memory_space<vmem>>
        %dma_start3A_226 = tpu.memref_squeeze %dma_start3A_225 : memref<1x128xi32, #tpu.memory_space<vmem>> -> memref<128xi32, #tpu.memory_space<vmem>>
        %dma_start3A_227 = arith.constant 0 : i32
        %dma_start3A_228 = arith.constant 0 : i32
        %dma_start3A_229 = tpu.memref_slice %arg2[%dma_start3A_227, %dma_start3A_228] : memref<2600000x32xf32, #tpu.memory_space<hbm>> -> memref<2600000x32xf32, #tpu.memory_space<hbm>>
        tpu.enqueue_indirect_dma source(%dma_start3A_229 : memref<2600000x32xf32, #tpu.memory_space<hbm>>) target(%dma_start3A_223 : memref<128x32xf32, #tpu.memory_space<vmem>>) offsets(%dma_start3A_226 : memref<128xi32, #tpu.memory_space<vmem>>) semaphore(%arg8 : memref<!tpu.dma_semaphore, #tpu.memory_space<semaphore_mem>>)
        %mul3A_230 = arith.constant 4 : i32
        %mul3A_231 = arith.muli %add3A_216, %mul3A_230 : i32
        %add3A_232 = arith.constant 1 : i32
        %add3A_233 = arith.addi %mul3A_231, %add3A_232 : i32
        %dma_start3A_234 = arith.constant 128 : i32
        %dma_start3A_235 = arith.constant 0 : i32
        %dma_start3A_236 = tpu.memref_slice %arg6[%dma_start3A_234, %dma_start3A_235] : memref<512x32xf32, #tpu.memory_space<vmem>> -> memref<128x32xf32, #tpu.memory_space<vmem>>
        %dma_start3A_237 = arith.constant 0 : i32
        %dma_start3A_238 = tpu.memref_slice %arg5[%add3A_233, %dma_start3A_237] : memref<104x128xi32, #tpu.memory_space<vmem>> -> memref<1x128xi32, #tpu.memory_space<vmem>>
        %dma_start3A_239 = tpu.memref_squeeze %dma_start3A_238 : memref<1x128xi32, #tpu.memory_space<vmem>> -> memref<128xi32, #tpu.memory_space<vmem>>
        %dma_start3A_240 = arith.constant 0 : i32
        %dma_start3A_241 = arith.constant 0 : i32
        %dma_start3A_242 = tpu.memref_slice %arg2[%dma_start3A_240, %dma_start3A_241] : memref<2600000x32xf32, #tpu.memory_space<hbm>> -> memref<2600000x32xf32, #tpu.memory_space<hbm>>
        tpu.enqueue_indirect_dma source(%dma_start3A_242 : memref<2600000x32xf32, #tpu.memory_space<hbm>>) target(%dma_start3A_236 : memref<128x32xf32, #tpu.memory_space<vmem>>) offsets(%dma_start3A_239 : memref<128xi32, #tpu.memory_space<vmem>>) semaphore(%arg8 : memref<!tpu.dma_semaphore, #tpu.memory_space<semaphore_mem>>)
        %mul3A_243 = arith.constant 4 : i32
        %mul3A_244 = arith.muli %add3A_216, %mul3A_243 : i32
        %add3A_245 = arith.constant 2 : i32
        %add3A_246 = arith.addi %mul3A_244, %add3A_245 : i32
        %dma_start3A_247 = arith.constant 256 : i32
        %dma_start3A_248 = arith.constant 0 : i32
        %dma_start3A_249 = tpu.memref_slice %arg6[%dma_start3A_247, %dma_start3A_248] : memref<512x32xf32, #tpu.memory_space<vmem>> -> memref<128x32xf32, #tpu.memory_space<vmem>>
        %dma_start3A_250 = arith.constant 0 : i32
        %dma_start3A_251 = tpu.memref_slice %arg5[%add3A_246, %dma_start3A_250] : memref<104x128xi32, #tpu.memory_space<vmem>> -> memref<1x128xi32, #tpu.memory_space<vmem>>
        %dma_start3A_252 = tpu.memref_squeeze %dma_start3A_251 : memref<1x128xi32, #tpu.memory_space<vmem>> -> memref<128xi32, #tpu.memory_space<vmem>>
        %dma_start3A_253 = arith.constant 0 : i32
        %dma_start3A_254 = arith.constant 0 : i32
        %dma_start3A_255 = tpu.memref_slice %arg2[%dma_start3A_253, %dma_start3A_254] : memref<2600000x32xf32, #tpu.memory_space<hbm>> -> memref<2600000x32xf32, #tpu.memory_space<hbm>>
        tpu.enqueue_indirect_dma source(%dma_start3A_255 : memref<2600000x32xf32, #tpu.memory_space<hbm>>) target(%dma_start3A_249 : memref<128x32xf32, #tpu.memory_space<vmem>>) offsets(%dma_start3A_252 : memref<128xi32, #tpu.memory_space<vmem>>) semaphore(%arg8 : memref<!tpu.dma_semaphore, #tpu.memory_space<semaphore_mem>>)
        %mul3A_256 = arith.constant 4 : i32
        %mul3A_257 = arith.muli %add3A_216, %mul3A_256 : i32
        %add3A_258 = arith.constant 3 : i32
        %add3A_259 = arith.addi %mul3A_257, %add3A_258 : i32
        %dma_start3A_260 = arith.constant 384 : i32
        %dma_start3A_261 = arith.constant 0 : i32
        %dma_start3A_262 = tpu.memref_slice %arg6[%dma_start3A_260, %dma_start3A_261] : memref<512x32xf32, #tpu.memory_space<vmem>> -> memref<128x32xf32, #tpu.memory_space<vmem>>
        %dma_start3A_263 = arith.constant 0 : i32
        %dma_start3A_264 = tpu.memref_slice %arg5[%add3A_259, %dma_start3A_263] : memref<104x128xi32, #tpu.memory_space<vmem>> -> memref<1x128xi32, #tpu.memory_space<vmem>>
        %dma_start3A_265 = tpu.memref_squeeze %dma_start3A_264 : memref<1x128xi32, #tpu.memory_space<vmem>> -> memref<128xi32, #tpu.memory_space<vmem>>
        %dma_start3A_266 = arith.constant 0 : i32
        %dma_start3A_267 = arith.constant 0 : i32
        %dma_start3A_268 = tpu.memref_slice %arg2[%dma_start3A_266, %dma_start3A_267] : memref<2600000x32xf32, #tpu.memory_space<hbm>> -> memref<2600000x32xf32, #tpu.memory_space<hbm>>
        tpu.enqueue_indirect_dma source(%dma_start3A_268 : memref<2600000x32xf32, #tpu.memory_space<hbm>>) target(%dma_start3A_262 : memref<128x32xf32, #tpu.memory_space<vmem>>) offsets(%dma_start3A_265 : memref<128xi32, #tpu.memory_space<vmem>>) semaphore(%arg8 : memref<!tpu.dma_semaphore, #tpu.memory_space<semaphore_mem>>)
      } else {
      }
      %mul3A_160 = arith.constant 4 : i32
      %mul3A_161 = arith.muli %add3A_51, %mul3A_160 : i32
      %add3A_162 = arith.constant 0 : i32
      %add3A_163 = arith.addi %mul3A_161, %add3A_162 : i32
      %dma_wait3A_164 = arith.constant 0 : i32
      %dma_wait3A_165 = arith.constant 0 : i32
      %dma_wait3A_166 = tpu.memref_slice %arg7[%dma_wait3A_164, %dma_wait3A_165] : memref<512x32xf32, #tpu.memory_space<vmem>> -> memref<128x32xf32, #tpu.memory_space<vmem>>
      %dma_wait3A_167 = arith.constant 0 : i32
      %dma_wait3A_168 = tpu.memref_slice %arg5[%add3A_163, %dma_wait3A_167] : memref<104x128xi32, #tpu.memory_space<vmem>> -> memref<1x128xi32, #tpu.memory_space<vmem>>
      %dma_wait3A_169 = tpu.memref_squeeze %dma_wait3A_168 : memref<1x128xi32, #tpu.memory_space<vmem>> -> memref<128xi32, #tpu.memory_space<vmem>>
      %dma_wait3A_170 = arith.constant 0 : i32
      %dma_wait3A_171 = arith.constant 0 : i32
      %dma_wait3A_172 = tpu.memref_slice %arg2[%dma_wait3A_170, %dma_wait3A_171] : memref<2600000x32xf32, #tpu.memory_space<hbm>> -> memref<2600000x32xf32, #tpu.memory_space<hbm>>
      tpu.wait_indirect_dma semaphore(%arg9 : memref<!tpu.dma_semaphore, #tpu.memory_space<semaphore_mem>>) src(%dma_wait3A_172 : memref<2600000x32xf32, #tpu.memory_space<hbm>>) dst(%dma_wait3A_166 : memref<128x32xf32, #tpu.memory_space<vmem>>)
      %mul3A_173 = arith.constant 4 : i32
      %mul3A_174 = arith.muli %add3A_51, %mul3A_173 : i32
      %add3A_175 = arith.constant 1 : i32
      %add3A_176 = arith.addi %mul3A_174, %add3A_175 : i32
      %dma_wait3A_177 = arith.constant 128 : i32
      %dma_wait3A_178 = arith.constant 0 : i32
      %dma_wait3A_179 = tpu.memref_slice %arg7[%dma_wait3A_177, %dma_wait3A_178] : memref<512x32xf32, #tpu.memory_space<vmem>> -> memref<128x32xf32, #tpu.memory_space<vmem>>
      %dma_wait3A_180 = arith.constant 0 : i32
      %dma_wait3A_181 = tpu.memref_slice %arg5[%add3A_176, %dma_wait3A_180] : memref<104x128xi32, #tpu.memory_space<vmem>> -> memref<1x128xi32, #tpu.memory_space<vmem>>
      %dma_wait3A_182 = tpu.memref_squeeze %dma_wait3A_181 : memref<1x128xi32, #tpu.memory_space<vmem>> -> memref<128xi32, #tpu.memory_space<vmem>>
      %dma_wait3A_183 = arith.constant 0 : i32
      %dma_wait3A_184 = arith.constant 0 : i32
      %dma_wait3A_185 = tpu.memref_slice %arg2[%dma_wait3A_183, %dma_wait3A_184] : memref<2600000x32xf32, #tpu.memory_space<hbm>> -> memref<2600000x32xf32, #tpu.memory_space<hbm>>
      tpu.wait_indirect_dma semaphore(%arg9 : memref<!tpu.dma_semaphore, #tpu.memory_space<semaphore_mem>>) src(%dma_wait3A_185 : memref<2600000x32xf32, #tpu.memory_space<hbm>>) dst(%dma_wait3A_179 : memref<128x32xf32, #tpu.memory_space<vmem>>)
      %mul3A_186 = arith.constant 4 : i32
      %mul3A_187 = arith.muli %add3A_51, %mul3A_186 : i32
      %add3A_188 = arith.constant 2 : i32
      %add3A_189 = arith.addi %mul3A_187, %add3A_188 : i32
      %dma_wait3A_190 = arith.constant 256 : i32
      %dma_wait3A_191 = arith.constant 0 : i32
      %dma_wait3A_192 = tpu.memref_slice %arg7[%dma_wait3A_190, %dma_wait3A_191] : memref<512x32xf32, #tpu.memory_space<vmem>> -> memref<128x32xf32, #tpu.memory_space<vmem>>
      %dma_wait3A_193 = arith.constant 0 : i32
      %dma_wait3A_194 = tpu.memref_slice %arg5[%add3A_189, %dma_wait3A_193] : memref<104x128xi32, #tpu.memory_space<vmem>> -> memref<1x128xi32, #tpu.memory_space<vmem>>
      %dma_wait3A_195 = tpu.memref_squeeze %dma_wait3A_194 : memref<1x128xi32, #tpu.memory_space<vmem>> -> memref<128xi32, #tpu.memory_space<vmem>>
      %dma_wait3A_196 = arith.constant 0 : i32
      %dma_wait3A_197 = arith.constant 0 : i32
      %dma_wait3A_198 = tpu.memref_slice %arg2[%dma_wait3A_196, %dma_wait3A_197] : memref<2600000x32xf32, #tpu.memory_space<hbm>> -> memref<2600000x32xf32, #tpu.memory_space<hbm>>
      tpu.wait_indirect_dma semaphore(%arg9 : memref<!tpu.dma_semaphore, #tpu.memory_space<semaphore_mem>>) src(%dma_wait3A_198 : memref<2600000x32xf32, #tpu.memory_space<hbm>>) dst(%dma_wait3A_192 : memref<128x32xf32, #tpu.memory_space<vmem>>)
      %mul3A_199 = arith.constant 4 : i32
      %mul3A_200 = arith.muli %add3A_51, %mul3A_199 : i32
      %add3A_201 = arith.constant 3 : i32
      %add3A_202 = arith.addi %mul3A_200, %add3A_201 : i32
      %dma_wait3A_203 = arith.constant 384 : i32
      %dma_wait3A_204 = arith.constant 0 : i32
      %dma_wait3A_205 = tpu.memref_slice %arg7[%dma_wait3A_203, %dma_wait3A_204] : memref<512x32xf32, #tpu.memory_space<vmem>> -> memref<128x32xf32, #tpu.memory_space<vmem>>
      %dma_wait3A_206 = arith.constant 0 : i32
      %dma_wait3A_207 = tpu.memref_slice %arg5[%add3A_202, %dma_wait3A_206] : memref<104x128xi32, #tpu.memory_space<vmem>> -> memref<1x128xi32, #tpu.memory_space<vmem>>
      %dma_wait3A_208 = tpu.memref_squeeze %dma_wait3A_207 : memref<1x128xi32, #tpu.memory_space<vmem>> -> memref<128xi32, #tpu.memory_space<vmem>>
      %dma_wait3A_209 = arith.constant 0 : i32
      %dma_wait3A_210 = arith.constant 0 : i32
      %dma_wait3A_211 = tpu.memref_slice %arg2[%dma_wait3A_209, %dma_wait3A_210] : memref<2600000x32xf32, #tpu.memory_space<hbm>> -> memref<2600000x32xf32, #tpu.memory_space<hbm>>
      tpu.wait_indirect_dma semaphore(%arg9 : memref<!tpu.dma_semaphore, #tpu.memory_space<semaphore_mem>>) src(%dma_wait3A_211 : memref<2600000x32xf32, #tpu.memory_space<hbm>>) dst(%dma_wait3A_205 : memref<128x32xf32, #tpu.memory_space<vmem>>)
      %mul3A_212 = arith.constant 512 : i32
      %mul3A_213 = arith.muli %add3A_51, %mul3A_212 : i32
      %add3A_214 = arith.addi %mul3A_2, %mul3A_213 : i32
      "tpu.region"() ({
        %run_scoped3A = tpu.sem_alloc : memref<!tpu.dma_semaphore, #tpu.memory_space<semaphore_mem>>
        %dma_start3A_215 = arith.constant 0 : i32
        %dma_start3A_216 = tpu.memref_slice %arg4[%add3A_214, %dma_start3A_215] : memref<425984x32xf32, #tpu.memory_space<hbm>> -> memref<512x32xf32, #tpu.memory_space<hbm>>
        %dma_start3A_217 = arith.constant 0 : i32
        %dma_start3A_218 = tpu.memref_slice %arg4[%add3A_214, %dma_start3A_217] : memref<425984x32xf32, #tpu.memory_space<hbm>> -> memref<512x32xf32, #tpu.memory_space<hbm>>
        tpu.enqueue_dma source(%arg7 : memref<512x32xf32, #tpu.memory_space<vmem>>) target(%dma_start3A_218 : memref<512x32xf32, #tpu.memory_space<hbm>>) target_semaphore(%run_scoped3A : memref<!tpu.dma_semaphore, #tpu.memory_space<semaphore_mem>>)
        %dma_wait3A_219 = arith.constant 0 : i32
        %dma_wait3A_220 = tpu.memref_slice %arg4[%add3A_214, %dma_wait3A_219] : memref<425984x32xf32, #tpu.memory_space<hbm>> -> memref<512x32xf32, #tpu.memory_space<hbm>>
        %dma_wait3A_221 = arith.constant 0 : i32
        %dma_wait3A_222 = tpu.memref_slice %arg4[%add3A_214, %dma_wait3A_221] : memref<425984x32xf32, #tpu.memory_space<hbm>> -> memref<512x32xf32, #tpu.memory_space<hbm>>
        tpu.wait_dma2 semaphore(%run_scoped3A : memref<!tpu.dma_semaphore, #tpu.memory_space<semaphore_mem>>) src(%arg7 : memref<512x32xf32, #tpu.memory_space<vmem>>) dst(%dma_wait3A_222 : memref<512x32xf32, #tpu.memory_space<hbm>>)
        tpu.yield
      }) : () -> ()
    }
    %scan3A_46 = arith.constant 13 : i32
    return
  }
}

</mosaic_0001>

<sc_bundles>
// kernel: _sc_gather.3.cloned.1.call-start
scs
__scs_entry_jumppad:
0x0: {  	(pc) =	sbr.rel $0x88, $3  }
0x1: {  	(tag) =	ssettag $0x0;
	lr =	simm.s32 $0x1  }
0x2: {  	[smem:$0x3F9F] =	sst lr;
	_ =	strace $0xD0000000  }
0x3: {  	_ = 	snop  }
0x4: {  	_ = 	snop  }
0x5: {  	_ = 	snop  }
0x6: {  	_ = 	snop  }
0x7: {  	_ = 	snop  }
__scs_overlays_trampoline_lowered:
0x8: {  	[smem:$0x3FAE] =	sst s0  }
0x9: {  	[smem:$0x3FAF] =	sst s1  }
0xa: {  	[smem:$0x3FB0] =	sst s2  }
0xb: {  	[smem:$0x3FB1] =	sst s3  }
0xc: {  	[smem:$0x3FB2] =	sst s4  }
0xd: {  	[smem:$0x3FB3] =	sst s5  }
0xe: {  	[smem:$0x3FB4] =	sst s6  }
0xf: {  	[smem:$0x3FB5] =	sst s7  }
0x10: {  	[smem:$0x3FB6] =	sst s8  }
0x11: {  	[smem:$0x3FB7] =	sst s9;
	s0 =	simm.s32 @!p0 $0x0  }
0x12: {  	s1 =	sld [smem:$0x3F9D];
	s0 =	simm.s32 @p0 $0x1  }
0x13: {  	[smem:$0x3FB8] =	sst s0;
	s0 =	simm.s32 @!p1 $0x0  }
0x14: {  	s2 =	sld [smem:$0x3F9C];
	s0 =	simm.s32 @p1 $0x1  }
0x15: {  	[smem:$0x3FB9] =	sst s0;
	s0 =	simm.s32 @!p2 $0x0  }
0x16: {  	s3 =	sld [smem:$0x3FDB];
	s0 =	simm.s32 @p2 $0x1  }
0x17: {  	s4 =	simm.s32 $0x1BF5;
	[smem:$0x3FBB] =	sst s0  }
0x18: {  	s0 =	sld [smem:$0x3F9E];
	_ =	swait.ge [sflag:s4], $0x0  }
0x19: {  	s7 =	sld [smem:$0x3F9F]  }
0x1a: {  	s8 =	sadd.s32 $0xFFFFE003, lr  }
0x1b: {  	s9 =	sadd.s32 $0xFFFFFEF7, lr;
	s5 =	simm.s32 $0xFFFFFFFF;
	p2 =	slt.u32 s8, $0xFFFFF086  }
0x1c: {  	p1 =	slt.u32 s9, $0xF7A;
	s5 =	simm.s32 @!p2 $0x0  }
0x1d: {  	s5 =	simm.s32 @p1 $0x1;
	p0 =	seq.s32 s7, s2  }
0x1e: {  	s7 =	smul.u32 @!p0 $0xF7A, s2;
	p2 =	seq.s32 @!p0 s5, $0x0  }
0x1f: {  	s9 =	smul.u32 $0xF7A, s1;
	s8 =	simm.s32 @!p0 $0x1BF5;
	p2 =	por !p2, p0  }
0x20: {  	[sflag:s8] =	ssyncset.s32 @!p0 $0xFFFFF086;
	s6 =	sadd.s32 @!p0 s3, s7;
	s7 =	simm.s32 @!p0 $0x108  }
0x21: {  	s3 =	sadd.s32 s3, s9;
	s6 =	sadd.s32 @!p0 $0x88, s6;
	s7 =	simm.s32 @p2 $0x1082  }
0x22: {  	[simem:s7], [sflag:s8] =	dma.local @!p0 [hbm:s6], $0xF7A  }
0x23: {  	s9 =	sor.u32 $0xD0000000, s2;
	s6 =	simm.s32 $0x108;
	_ =	swait.ge @!p0 [sflag:s8], $0x0  }
0x24: {  	s3 =	sadd.s32 $0x88, s3;
	s6 =	simm.s32 @!p1 $0x1082;
	[sflag:s4] =	ssyncset.s32 $0xFFFFF086  }
0x25: {  	[simem:s6], [sflag:s4] =	dma.local [hbm:s3], $0xF7A  }
0x26: {  	[smem:$0x3F9F] =	sst s1;
	(tag) =	ssettag s2;
	_ =	strace s9  }
0x27: {  	s1 =	sld [smem:$0x3FAF]  }
0x28: {  	s2 =	sld [smem:$0x3FB0]  }
0x29: {  	s4 =	sld [smem:$0x3FB2]  }
0x2a: {  	p0 =	seq.s32 s5, $0x0;
	s5 =	sld [smem:$0x3FB3]  }
0x2b: {  	s6 =	sld [smem:$0x3FB4]  }
0x2c: {  	s7 =	sld [smem:$0x3FB5]  }
0x2d: {  	s3 =	simm.s32 $0x108;
	s8 =	sld [smem:$0x3FB6]  }
0x2e: {  	s3 =	simm.s32 @!p0 $0x1082;
	s9 =	sld [smem:$0x3FB7]  }
0x2f: {  	lr =	sadd.s32 s0, s3;
	s0 =	sld [smem:$0x3FAE]  }
0x30: {  	s3 =	sld [smem:$0x3FB1]  }
0x31: {  	[smem:$0x3FBA] =	sst s10  }
0x32: {  	s10 =	sld [smem:$0x3FB8];
	_ =	sdelay $0x3  }
0x33: {  	p0 =	seq.s32 s10, $0x1;
	s10 =	sld [smem:$0x3FBA];
	_ =	sdelay $0x3  }
0x34: {  	[smem:$0x3FBA] =	sst s10  }
0x35: {  	s10 =	sld [smem:$0x3FB9];
	_ =	sdelay $0x3  }
0x36: {  	p1 =	seq.s32 s10, $0x1;
	s10 =	sld [smem:$0x3FBA];
	_ =	sdelay $0x3  }
0x37: {  	[smem:$0x3FBA] =	sst s10  }
0x38: {  	s10 =	sld [smem:$0x3FBB]  }
0x39: {  	_ = 	snop;
	(pc) =	sbr.ind lr, $3  }
0x3a: {  	_ = 	snop  }
0x3b: {  	_ = 	snop  }
0x3c: {  	p2 =	seq.s32 s10, $0x1;
	s10 =	sld [smem:$0x3FBA]  }
0x3d: {  	_ =	shalt  }
0x3e: {  	_ =	shalt  }
0x3f: {  	_ =	shalt  }
0x40: {  	_ =	shalt  }
0x41: {  	_ =	shalt  }
0x42: {  	_ =	shalt  }
0x43: {  	_ =	shalt  }
0x44: {  	_ =	shalt  }
0x45: {  	_ =	shalt  }
0x46: {  	_ =	shalt  }
0x47: {  	_ =	shalt  }
0x48: {  	_ =	shalt  }
0x49: {  	_ =	shalt  }
0x4a: {  	_ =	shalt  }
0x4b: {  	_ =	shalt  }
0x4c: {  	_ =	shalt  }
0x4d: {  	_ =	shalt  }
0x4e: {  	_ =	shalt  }
0x4f: {  	_ =	shalt  }
0x50: {  	_ =	shalt  }
0x51: {  	_ =	shalt  }
0x52: {  	_ =	shalt  }
0x53: {  	_ =	shalt  }
0x54: {  	_ =	shalt  }
0x55: {  	_ =	shalt  }
0x56: {  	_ =	shalt  }
0x57: {  	_ =	shalt  }
0x58: {  	_ =	shalt  }
0x59: {  	_ =	shalt  }
0x5a: {  	_ =	shalt  }
0x5b: {  	_ =	shalt  }
0x5c: {  	_ =	shalt  }
0x5d: {  	_ =	shalt  }
0x5e: {  	_ =	shalt  }
0x5f: {  	_ =	shalt  }
0x60: {  	_ =	shalt  }
0x61: {  	_ =	shalt  }
0x62: {  	_ =	shalt  }
0x63: {  	_ =	shalt  }
0x64: {  	_ =	shalt  }
0x65: {  	_ =	shalt  }
0x66: {  	_ =	shalt  }
0x67: {  	_ =	shalt  }
0x68: {  	_ =	shalt  }
0x69: {  	_ =	shalt  }
0x6a: {  	_ =	shalt  }
0x6b: {  	_ =	shalt  }
0x6c: {  	_ =	shalt  }
0x6d: {  	_ =	shalt  }
0x6e: {  	_ =	shalt  }
0x6f: {  	_ =	shalt  }
0x70: {  	_ =	shalt  }
0x71: {  	_ =	shalt  }
0x72: {  	_ =	shalt  }
0x73: {  	_ =	shalt  }
0x74: {  	_ =	shalt  }
0x75: {  	_ =	shalt  }
0x76: {  	_ =	shalt  }
0x77: {  	_ =	shalt  }
0x78: {  	_ =	shalt  }
0x79: {  	_ =	shalt  }
0x7a: {  	_ =	shalt  }
0x7b: {  	_ =	shalt  }
0x7c: {  	_ =	shalt  }
0x7d: {  	_ =	shalt  }
0x7e: {  	_ =	shalt  }
0x7f: {  	_ =	shalt  }
0x80: {  	_ =	shalt  }
0x81: {  	_ =	shalt  }
0x82: {  	_ =	shalt  }
0x83: {  	_ =	shalt  }
0x84: {  	_ =	shalt  }
0x85: {  	_ =	shalt  }
0x86: {  	_ =	shalt  }
0x87: {  	_ =	shalt  }
.Lfunc_end0:
.L_simem_size_0:
called_computation.1_lowered:
.L_overlay_start_0:
0x88: {  	s2 =	sld [smem:$0x3FD9]  }
0x89: {  	s3 =	sld [smem:$0x3FFE];
	_ =	sdelay $0x1  }
0x8a: {  	s1 =	srdreg.scid  }
0x8b: {  	s0 =	sand.u32 $0x1, s1  }
0x8c: {  	s17 =	sshll.u32 s0, $0xA;
	s2 =	sadd.s32 s3, s2  }
0x8d: {  	s2 =	sadd.s32 s2, s17  }
0x8e: {  	[smem:$0x3FC6] =	sst s2  }
0x8f: {  	_ = 	snop  }
0x90: {  	s2 =	sld [smem:$0x3FC8]  }
0x91: {  	s18 =	sld [smem:$0x3FD0];
	(tm) =	ssettm $0x1  }
0x92: {  	s4 =	sld [smem:$0x3FFB];
	_ =	sdelay $0x3  }
0x93: {  	_ =	strace s4  }
0x94: {  	s4 =	sld [smem:$0x3FFC];
	_ =	sdelay $0x3  }
0x95: {  	_ =	strace s4  }
0x96: {  	s4 =	sld [smem:$0x3FFD];
	_ =	sdelay $0x3  }
0x97: {  	_ =	strace s4  }
0x98: {  	_ =	strace $0x8FFFFFFF  }
0x99: {  	s19 =	sld [smem:$0x3FDB];
	_ =	sdelay $0x1  }
0x9a: {  	s5 =	simm.s32 $_scs_section_size  }
0x9b: {  	s6 =	simm.s32 $_size__tile_overlayer_lowered;
	s7 =	simm.s32 $_tile_overlayer_lowered  }
0x9c: {  	s22 =	simm.s32 $0x1BFF;
	s21 =	sshll.u32 s7, $0x1;
	s4 =	sadd.s32 s5, s19  }
0x9d: {  	s8 =	simm.s32 $0x0;
	s20 =	sshll.u32 s6, $0x1;
	s6 =	sadd.s32 s21, s4  }
0x9e: {  	[timem:s8], [sflag:s22] =	dma.local [hbm:s6], s20  }
0x9f: {  	_ =	swait.ge [sflag:s22], s20  }
0xa0: {  	s5 =	ssub.s32 $0x0, s20;
	[sflag:s22] =	ssyncset.done $0x0  }
0xa1: {  	[sflag:s22] =	ssyncadd.s32 s5;
	_ =	sdelay $0x1  }
0xa2: {  	s23 =	simm.s32 $0x1B8B  }
0xa3: {  	_ =	swait.ge [sflag:s23], $0x1  }
0xa4: {  	[sflag:s23] =	ssyncset.done $0x0  }
0xa5: {  	s25 =	simm.s32 $0x1B8E;
	s24 =	sld [smem:$0x3FFE];
	[sflag:s23] =	ssyncadd.s32 $0xFFFFFFFF  }
0xa6: {  	s26 =	simm.s32 $execute0_lowered;
	[smem:$0x3FD2] =	sst s25  }
0xa7: {  	s6 =	sshll.u32 s26, $0x1;
	_ =	strace $0x80000046;
	[dreg:$0x1] =	wrdreg $0xFFFFFFFF  }
0xa8: {  	s28 =	simm.s32 $_size_execute0_lowered;
	s4 =	sadd.s32 s4, s6;
	[dreg:$0x0] =	wrdreg $0x0  }
0xa9: {  	s6 =	sshll.u32 s28, $0x1;
	[dreg:$0x2] =	wrdreg s4  }
0xaa: {  	[dreg:$0x3] =	wrdreg s6  }
0xab: {  	[dreg:$0x4] =	wrdreg $0xC0  }
0xac: {  	_ =	task [dreg:s8], $0x5FFFF  }
0xad: {  	[dreg:$0x1] =	wrdreg $0xFFFFFFFF  }
0xae: {  	[dreg:$0x0] =	wrdreg $0x60  }
0xaf: {  	[dreg:$0x2] =	wrdreg s24  }
0xb0: {  	[dreg:$0x3] =	wrdreg s2  }
0xb1: {  	[dreg:$0x4] =	wrdreg s18  }
0xb2: {  	[dreg:$0x5] =	wrdreg $0x9  }
0xb3: {  	_ =	task.clear_ibuf [dreg:s8], $0x6FFFF;
	_ =	strace $0x90000046  }
0xb4: {  	s29 =	simm.s32 $0x9;
	_ =	strace $0x80000048  }
0xb5: {  	_ =	swait.ge [sflag:s29], $0x1  }
0xb6: {  	[sflag:s29] =	ssyncadd.s32 $0xFFFFFFFF  }
0xb7: {  	_ =	strace $0x90000048  }
0xb8: {  	_ =	sfence  }
0xb9: {  	s30 =	sld [smem:$0x0];
	_ =	sdelay $0x2  }
0xba: {  	s31 =	sshll.u32 s1, $0xD;
	s1 =	sshrl.u32 s1, $0x2  }
0xbb: {  	s3 =	sand.u32 $0x4000, s31;
	s1 =	sadd.s32 s1, s30  }
0xbc: {  	s0 =	sor.u32 s3, s0;
	s1 =	sshll.u32 s1, $0x11  }
0xbd: {  	s0 =	sor.u32 s1, s0  }
0xbe: {  	s0 =	sadd.s32 $0x8F2B, s0  }
0xbf: {  	[sflag:s0] =	ssyncadd.remote.s32 $0x1  }
0xc0: {  	_ =	sfence.sel $0xFFFF  }
0xc1: {  	[dreg:$0x0] =	wrdreg $0xFFFFFFFF;
	(pc) =	sbr.abs _section_cstart, $3  }
0xc2: {  	[dreg:$0x1] =	wrdreg $0xFFFFFFFF  }
0xc3: {  	_ =	task.clear_ibuf [dreg:s8], $0x2FFFF;
	_ =	strace $0x9FFFFFFF  }
0xc4: {  	(tm) =	ssettm $0x7FFFFFFF  }
0xc5: {  	_ =	shalt  }
tec
execute0_lowered:
.L_overlay_start_1:
0x0: {  	(tag) =	ssettag $0x1  }
0x1: {  	s1 =	rddreg [dreg:$0x0]  }
0x2: {  	s0 =	srdreg.scid;
	s4 =	rddreg [dreg:$0x1]  }
0x3: {  	s8 =	stileid.u32;
	s9 =	rddreg [dreg:$0x2];
	s11 =	simm.s32 $0x80  }
0x4: {  	s12 =	simm.s32 $0x3400;
	s13 =	simm.s32 $0x4400;
	s15 =	simm.s32 $0x5400  }
0x5: {  	s17 =	simm.s32 $0x6400;
	s18 =	simm.s32 $0x7400;
	s19 =	simm.s32 $0x8400  }
0x6: {  	s20 =	simm.s32 $0x9400;
	s21 =	simm.s32 $0xA400;
	s22 =	simm.s32 $0x1  }
0x7: {  	s23 =	simm.s32 $0x2;
	s24 =	simm.s32 $0x3200;
	s25 =	simm.s32 $0x3280  }
0x8: {  	s0 =	sand.u32 $0x1, s0;
	s2 =	sshll.u32 s8, $0x1;
	s8 =	smul.u32 $0xD0000, s8  }
0x9: {  	s3 =	sor.u32 s0, s2;
	s7 =	ssub.s32 $0x2, s0;
	s0 =	smul.u32 $0x68000, s0  }
0xa: {  	s28 =	simm.s32 $0x3380;
	s2 =	simm.s32 $0x0;
	s5 =	smul.u32 $0x680, s3  }
0xb: {  	s29 =	simm.s32 $0x0;
	s6 =	smul.u32 $0x68000, s3;
	[smem:$0x7FF] =	sst s2  }
0xc: {  	s10 =	sshrl.u32 s7, $0x1;
	s3 =	sadd.s32 $0x27ACC00, s1;
	_ =	strace $0x80000047  }
0xd: {  	s26 =	ssub.s32 s7, s10;
	s0 =	sadd.s32 s0, s8;
	s10 =	simm.s32 $0x3  }
0xe: {  	s6 =	sshrl.u32 s6, $0x3;
	s4 =	sadd.s32 s4, s5;
	s5 =	smax.u32 s26, $0x1  }
0xf: {  	s31 =	sor.u32 $0x4000, s0;
	s0 =	sshrl.u32 s0, $0x3;
	s26 =	simm.s32 $0x3300  }
0x10: {  	s30 =	sadd.s32 s9, s6;
	s1 =	sshrl.u32 s31, $0x3;
	s8 =	sadd.s32 s0, s9  }
0x11: {  	s6 =	sadd.s32 $0xC000, s30;
	s7 =	sadd.s32 $0xC800, s30;
	s9 =	sadd.s32 s1, s9  }
.LBB2_1:
0x12: {  	[tilespmem:s2], [sflag:$0x3] =	stream.linear.gather [hbm4b:s4+s2], $0x3400, $0x38;
	[tilespmem:$0xB400] =	vst v63  }
0x13: {  	_ =	swait.ge [sflag:s10], $0x3400  }
0x14: {  	[sflag:s10] =	ssyncset.done $0x0  }
0x15: {  	[sflag:s10] =	ssyncadd.s32 $0xFFFFCC00  }
0x16: {  	[tilespmem:s12], [sflag:$0x1] =	stream.indirect.gather [hbm4b:s3+s11], $0x20, s2, s11, $0xb8;
	[tilespmem:$0xB400] =	vst v63  }
0x17: {  	_ = 	snop  }
0x18: {  	[tilespmem:s13], [sflag:$0x1] =	stream.indirect.gather [hbm4b:s3+s11], $0x20, s11, s11, $0xb8;
	[tilespmem:$0xB400] =	vst v63  }
0x19: {  	s0 =	simm.s32 $0x100  }
0x1a: {  	[tilespmem:s15], [sflag:$0x1] =	stream.indirect.gather [hbm4b:s3+s11], $0x20, s0, s11, $0xb8;
	[tilespmem:$0xB400] =	vst v63  }
0x1b: {  	s14 =	simm.s32 $0x180  }
0x1c: {  	[tilespmem:s17], [sflag:$0x1] =	stream.indirect.gather [hbm4b:s3+s11], $0x20, s14, s11, $0xb8;
	[tilespmem:$0xB400] =	vst v63  }
0x1d: {  	s16 =	simm.s32 $0x200  }
0x1e: {  	[tilespmem:s18], [sflag:$0x2] =	stream.indirect.gather [hbm4b:s3+s11], $0x20, s16, s11, $0xb8;
	[tilespmem:$0xB400] =	vst v63  }
0x1f: {  	s1 =	simm.s32 $0x280  }
0x20: {  	[tilespmem:s19], [sflag:$0x2] =	stream.indirect.gather [hbm4b:s3+s11], $0x20, s1, s11, $0xb8;
	[tilespmem:$0xB400] =	vst v63  }
0x21: {  	s14 =	simm.s32 $0x300  }
0x22: {  	[tilespmem:s20], [sflag:$0x2] =	stream.indirect.gather [hbm4b:s3+s11], $0x20, s14, s11, $0xb8;
	[tilespmem:$0xB400] =	vst v63  }
0x23: {  	s16 =	simm.s32 $0x380  }
0x24: {  	[tilespmem:s21], [sflag:$0x2] =	stream.indirect.gather [hbm4b:s3+s11], $0x20, s16, s11, $0xb8;
	[tilespmem:$0xB400] =	vst v63  }
0x25: {  	_ =	swait.ge [sflag:s22], $0x1000  }
0x26: {  	[sflag:s22] =	ssyncset.done $0x0  }
0x27: {  	[sflag:s22] =	ssyncadd.s32 $0xFFFFF000  }
0x28: {  	_ =	swait.ge [sflag:s22], $0x1000  }
0x29: {  	[sflag:s22] =	ssyncset.done $0x0  }
0x2a: {  	[sflag:s22] =	ssyncadd.s32 $0xFFFFF000  }
0x2b: {  	_ =	swait.ge [sflag:s22], $0x1000  }
0x2c: {  	[sflag:s22] =	ssyncset.done $0x0  }
0x2d: {  	[sflag:s22] =	ssyncadd.s32 $0xFFFFF000  }
0x2e: {  	_ =	swait.ge [sflag:s22], $0x1000  }
0x2f: {  	[sflag:s22] =	ssyncset.done $0x0  }
0x30: {  	s1 =	sadd.s32 $0x0, s8;
	[sflag:s22] =	ssyncadd.s32 $0xFFFFF000  }
0x31: {  	[hbm4b:s1+s2] =	stream.linear.scatter [tilespmem:s12], [sflag:$0x3], $0x4000, $0x38;
	[tilespmem:$0xB400] =	vst v63  }
0x32: {  	_ =	swait.ge [sflag:s10], $0x4000  }
0x33: {  	[sflag:s10] =	ssyncset.done $0x0  }
0x34: {  	s14 =	simm.s32 $0x400;
	[sflag:s10] =	ssyncadd.s32 $0xFFFFC000  }
0x35: {  	[tilespmem:s12], [sflag:$0x1] =	stream.indirect.gather [hbm4b:s3+s11], $0x20, s14, s11, $0xb8;
	[tilespmem:$0xB400] =	vst v63  }
0x36: {  	s16 =	simm.s32 $0x480  }
0x37: {  	[tilespmem:s13], [sflag:$0x1] =	stream.indirect.gather [hbm4b:s3+s11], $0x20, s16, s11, $0xb8;
	[tilespmem:$0xB400] =	vst v63  }
0x38: {  	s1 =	simm.s32 $0x500  }
0x39: {  	[tilespmem:s15], [sflag:$0x1] =	stream.indirect.gather [hbm4b:s3+s11], $0x20, s1, s11, $0xb8;
	[tilespmem:$0xB400] =	vst v63  }
0x3a: {  	s14 =	simm.s32 $0x580  }
0x3b: {  	[tilespmem:s17], [sflag:$0x1] =	stream.indirect.gather [hbm4b:s3+s11], $0x20, s14, s11, $0xb8;
	[tilespmem:$0xB400] =	vst v63  }
0x3c: {  	_ =	swait.ge [sflag:s23], $0x1000  }
0x3d: {  	[sflag:s23] =	ssyncset.done $0x0  }
0x3e: {  	[sflag:s23] =	ssyncadd.s32 $0xFFFFF000  }
0x3f: {  	_ =	swait.ge [sflag:s23], $0x1000  }
0x40: {  	[sflag:s23] =	ssyncset.done $0x0  }
0x41: {  	[sflag:s23] =	ssyncadd.s32 $0xFFFFF000  }
0x42: {  	_ =	swait.ge [sflag:s23], $0x1000  }
0x43: {  	[sflag:s23] =	ssyncset.done $0x0  }
0x44: {  	[sflag:s23] =	ssyncadd.s32 $0xFFFFF000  }
0x45: {  	_ =	swait.ge [sflag:s23], $0x1000  }
0x46: {  	[sflag:s23] =	ssyncset.done $0x0  }
0x47: {  	s16 =	sadd.s32 $0x0, s9;
	[sflag:s23] =	ssyncadd.s32 $0xFFFFF000  }
0x48: {  	[hbm4b:s16+s2] =	stream.linear.scatter [tilespmem:s18], [sflag:$0x3], $0x4000, $0x38;
	[tilespmem:$0xB400] =	vst v63  }
0x49: {  	s30 =	simm.s32 $0x1000;
	_ =	swait.ge [sflag:s10], $0x4000  }
0x4a: {  	s31 =	simm.s32 $0x400;
	s1 =	simm.s32 $0x2000;
	[sflag:s10] =	ssyncset.done $0x0  }
.LBB2_2:
0x4b: {  	s16 =	sadd.s32 $0x200, s31  }
0x4c: {  	[sflag:s10] =	ssyncadd.s32 $0xFFFFC000;
	s0 =	smov.u32 s1;
	s14 =	sadd.s32 $0x1000, s1  }
0x4d: {  	[tilespmem:s18], [sflag:$0x2] =	stream.indirect.gather [hbm4b:s3+s11], $0x20, s16, s11, $0xb8;
	[tilespmem:$0xB400] =	vst v63  }
0x4e: {  	p0 =	sne.s32 s1, $0xB000;
	s1 =	sadd.s32 $0x280, s31  }
0x4f: {  	[tilespmem:s19], [sflag:$0x2] =	stream.indirect.gather [hbm4b:s3+s11], $0x20, s1, s11, $0xb8;
	[tilespmem:$0xB400] =	vst v63  }
0x50: {  	s1 =	sadd.s32 $0x300, s31  }
0x51: {  	[tilespmem:s20], [sflag:$0x2] =	stream.indirect.gather [hbm4b:s3+s11], $0x20, s1, s11, $0xb8;
	[tilespmem:$0xB400] =	vst v63  }
0x52: {  	s1 =	sadd.s32 $0x380, s31  }
0x53: {  	[tilespmem:s21], [sflag:$0x2] =	stream.indirect.gather [hbm4b:s3+s11], $0x20, s1, s11, $0xb8;
	[tilespmem:$0xB400] =	vst v63  }
0x54: {  	_ =	swait.ge [sflag:s22], $0x1000  }
0x55: {  	[sflag:s22] =	ssyncset.done $0x0  }
0x56: {  	[sflag:s22] =	ssyncadd.s32 $0xFFFFF000  }
0x57: {  	_ =	swait.ge [sflag:s22], $0x1000  }
0x58: {  	[sflag:s22] =	ssyncset.done $0x0  }
0x59: {  	[sflag:s22] =	ssyncadd.s32 $0xFFFFF000  }
0x5a: {  	_ =	swait.ge [sflag:s22], $0x1000  }
0x5b: {  	[sflag:s22] =	ssyncset.done $0x0  }
0x5c: {  	[sflag:s22] =	ssyncadd.s32 $0xFFFFF000  }
0x5d: {  	_ =	swait.ge [sflag:s22], $0x1000  }
0x5e: {  	[sflag:s22] =	ssyncset.done $0x0  }
0x5f: {  	s1 =	sadd.s32 s30, s8;
	[sflag:s22] =	ssyncadd.s32 $0xFFFFF000  }
0x60: {  	[hbm4b:s1+s2] =	stream.linear.scatter [tilespmem:s12], [sflag:$0x3], $0x4000, $0x38;
	[tilespmem:$0xB400] =	vst v63  }
0x61: {  	_ =	swait.ge [sflag:s10], $0x4000  }
0x62: {  	[sflag:s10] =	ssyncset.done $0x0  }
0x63: {  	s1 =	sadd.s32 $0x400, s31;
	[sflag:s10] =	ssyncadd.s32 $0xFFFFC000  }
0x64: {  	[tilespmem:s12], [sflag:$0x1] =	stream.indirect.gather [hbm4b:s3+s11], $0x20, s1, s11, $0xb8;
	[tilespmem:$0xB400] =	vst v63  }
0x65: {  	s1 =	sadd.s32 $0x480, s31  }
0x66: {  	[tilespmem:s13], [sflag:$0x1] =	stream.indirect.gather [hbm4b:s3+s11], $0x20, s1, s11, $0xb8;
	[tilespmem:$0xB400] =	vst v63  }
0x67: {  	s1 =	sadd.s32 $0x500, s31  }
0x68: {  	[tilespmem:s15], [sflag:$0x1] =	stream.indirect.gather [hbm4b:s3+s11], $0x20, s1, s11, $0xb8;
	[tilespmem:$0xB400] =	vst v63  }
0x69: {  	s1 =	sadd.s32 $0x580, s31  }
0x6a: {  	[tilespmem:s17], [sflag:$0x1] =	stream.indirect.gather [hbm4b:s3+s11], $0x20, s1, s11, $0xb8;
	[tilespmem:$0xB400] =	vst v63  }
0x6b: {  	_ =	swait.ge [sflag:s23], $0x1000  }
0x6c: {  	[sflag:s23] =	ssyncset.done $0x0  }
0x6d: {  	[sflag:s23] =	ssyncadd.s32 $0xFFFFF000  }
0x6e: {  	_ =	swait.ge [sflag:s23], $0x1000  }
0x6f: {  	[sflag:s23] =	ssyncset.done $0x0  }
0x70: {  	[sflag:s23] =	ssyncadd.s32 $0xFFFFF000  }
0x71: {  	_ =	swait.ge [sflag:s23], $0x1000  }
0x72: {  	[sflag:s23] =	ssyncset.done $0x0  }
0x73: {  	[sflag:s23] =	ssyncadd.s32 $0xFFFFF000  }
0x74: {  	_ =	swait.ge [sflag:s23], $0x1000  }
.Ltmp0:
0x75: {  	[sflag:s23] =	ssyncset.done $0x0;
	(pc) =	sbr.rel @p0 .LBB2_2-.Ltmp0, $4  }
0x76: {  	s1 =	sadd.s32 s30, s9;
	s30 =	smov.u32 s0;
	[sflag:s23] =	ssyncadd.s32 $0xFFFFF000  }
0x77: {  	[hbm4b:s1+s2] =	stream.linear.scatter [tilespmem:s18], [sflag:$0x3], $0x4000, $0x38;
	[tilespmem:$0xB400] =	vst v63  }
0x78: {  	_ =	swait.ge [sflag:s10], $0x4000  }
0x79: {  	s31 =	sshra.s32 s30, $0x2;
	s1 =	smov.u32 s14;
	[sflag:s10] =	ssyncset.done $0x0  }
0x7a: {  	s0 =	sadd.s32 $0x200, s31;
	[sflag:s10] =	ssyncadd.s32 $0xFFFFC000  }
0x7b: {  	[tilespmem:s18], [sflag:$0x2] =	stream.indirect.gather [hbm4b:s3+s11], $0x20, s0, s11, $0xb8;
	[tilespmem:$0xB400] =	vst v63  }
0x7c: {  	s14 =	sadd.s32 $0x280, s31  }
0x7d: {  	[tilespmem:s19], [sflag:$0x2] =	stream.indirect.gather [hbm4b:s3+s11], $0x20, s14, s11, $0xb8;
	[tilespmem:$0xB400] =	vst v63  }
0x7e: {  	s16 =	sadd.s32 $0x300, s31  }
0x7f: {  	[tilespmem:s20], [sflag:$0x2] =	stream.indirect.gather [hbm4b:s3+s11], $0x20, s16, s11, $0xb8;
	[tilespmem:$0xB400] =	vst v63  }
0x80: {  	s1 =	sadd.s32 $0x380, s31  }
0x81: {  	[tilespmem:s21], [sflag:$0x2] =	stream.indirect.gather [hbm4b:s3+s11], $0x20, s1, s11, $0xb8;
	[tilespmem:$0xB400] =	vst v63  }
0x82: {  	_ =	swait.ge [sflag:s22], $0x1000  }
0x83: {  	[sflag:s22] =	ssyncset.done $0x0  }
0x84: {  	[sflag:s22] =	ssyncadd.s32 $0xFFFFF000  }
0x85: {  	_ =	swait.ge [sflag:s22], $0x1000  }
0x86: {  	[sflag:s22] =	ssyncset.done $0x0  }
0x87: {  	[sflag:s22] =	ssyncadd.s32 $0xFFFFF000  }
0x88: {  	_ =	swait.ge [sflag:s22], $0x1000  }
0x89: {  	[sflag:s22] =	ssyncset.done $0x0  }
0x8a: {  	[sflag:s22] =	ssyncadd.s32 $0xFFFFF000  }
0x8b: {  	_ =	swait.ge [sflag:s22], $0x1000  }
0x8c: {  	[sflag:s22] =	ssyncset.done $0x0  }
0x8d: {  	s14 =	sadd.s32 s30, s8;
	[sflag:s22] =	ssyncadd.s32 $0xFFFFF000  }
0x8e: {  	[hbm4b:s14+s2] =	stream.linear.scatter [tilespmem:s12], [sflag:$0x3], $0x4000, $0x38;
	[tilespmem:$0xB400] =	vst v63  }
0x8f: {  	_ =	swait.ge [sflag:s10], $0x4000  }
0x90: {  	[sflag:s10] =	ssyncset.done $0x0  }
0x91: {  	s16 =	sadd.s32 $0x400, s31;
	[sflag:s10] =	ssyncadd.s32 $0xFFFFC000  }
0x92: {  	[tilespmem:s12], [sflag:$0x1] =	stream.indirect.gather [hbm4b:s3+s11], $0x20, s16, s11, $0xb8;
	[tilespmem:$0xB400] =	vst v63  }
0x93: {  	s1 =	sadd.s32 $0x480, s31  }
0x94: {  	[tilespmem:s13], [sflag:$0x1] =	stream.indirect.gather [hbm4b:s3+s11], $0x20, s1, s11, $0xb8;
	[tilespmem:$0xB400] =	vst v63  }
0x95: {  	s14 =	sadd.s32 $0x500, s31  }
0x96: {  	[tilespmem:s15], [sflag:$0x1] =	stream.indirect.gather [hbm4b:s3+s11], $0x20, s14, s11, $0xb8;
	[tilespmem:$0xB400] =	vst v63  }
0x97: {  	s16 =	sadd.s32 $0x580, s31  }
0x98: {  	[tilespmem:s17], [sflag:$0x1] =	stream.indirect.gather [hbm4b:s3+s11], $0x20, s16, s11, $0xb8;
	[tilespmem:$0xB400] =	vst v63  }
0x99: {  	_ =	swait.ge [sflag:s23], $0x1000  }
0x9a: {  	[sflag:s23] =	ssyncset.done $0x0  }
0x9b: {  	[sflag:s23] =	ssyncadd.s32 $0xFFFFF000  }
0x9c: {  	_ =	swait.ge [sflag:s23], $0x1000  }
0x9d: {  	[sflag:s23] =	ssyncset.done $0x0  }
0x9e: {  	[sflag:s23] =	ssyncadd.s32 $0xFFFFF000  }
0x9f: {  	_ =	swait.ge [sflag:s23], $0x1000  }
0xa0: {  	[sflag:s23] =	ssyncset.done $0x0  }
0xa1: {  	[sflag:s23] =	ssyncadd.s32 $0xFFFFF000  }
0xa2: {  	_ =	swait.ge [sflag:s23], $0x1000  }
0xa3: {  	[sflag:s23] =	ssyncset.done $0x0  }
0xa4: {  	s31 =	sadd.s32 s30, s9;
	[sflag:s23] =	ssyncadd.s32 $0xFFFFF000  }
0xa5: {  	[hbm4b:s31+s2] =	stream.linear.scatter [tilespmem:s18], [sflag:$0x3], $0x4000, $0x38;
	[tilespmem:$0xB400] =	vst v63  }
0xa6: {  	_ =	swait.ge [sflag:s10], $0x4000  }
0xa7: {  	[sflag:s10] =	ssyncset.done $0x0  }
0xa8: {  	[sflag:s10] =	ssyncadd.s32 $0xFFFFC000  }
0xa9: {  	[tilespmem:s18], [sflag:$0x2] =	stream.indirect.gather [hbm4b:s3+s11], $0x20, s24, s11, $0xb8;
	[tilespmem:$0xB400] =	vst v63  }
0xaa: {  	_ = 	snop  }
0xab: {  	[tilespmem:s19], [sflag:$0x2] =	stream.indirect.gather [hbm4b:s3+s11], $0x20, s25, s11, $0xb8;
	[tilespmem:$0xB400] =	vst v63  }
0xac: {  	_ = 	snop  }
0xad: {  	[tilespmem:s20], [sflag:$0x2] =	stream.indirect.gather [hbm4b:s3+s11], $0x20, s26, s11, $0xb8;
	[tilespmem:$0xB400] =	vst v63  }
0xae: {  	_ = 	snop  }
0xaf: {  	[tilespmem:s21], [sflag:$0x2] =	stream.indirect.gather [hbm4b:s3+s11], $0x20, s28, s11, $0xb8;
	[tilespmem:$0xB400] =	vst v63  }
0xb0: {  	_ =	swait.ge [sflag:s22], $0x1000  }
0xb1: {  	[sflag:s22] =	ssyncset.done $0x0  }
0xb2: {  	[sflag:s22] =	ssyncadd.s32 $0xFFFFF000  }
0xb3: {  	_ =	swait.ge [sflag:s22], $0x1000  }
0xb4: {  	[sflag:s22] =	ssyncset.done $0x0  }
0xb5: {  	[sflag:s22] =	ssyncadd.s32 $0xFFFFF000  }
0xb6: {  	_ =	swait.ge [sflag:s22], $0x1000  }
0xb7: {  	[sflag:s22] =	ssyncset.done $0x0  }
0xb8: {  	[sflag:s22] =	ssyncadd.s32 $0xFFFFF000  }
0xb9: {  	_ =	swait.ge [sflag:s22], $0x1000  }
0xba: {  	[sflag:s22] =	ssyncset.done $0x0  }
0xbb: {  	[sflag:s22] =	ssyncadd.s32 $0xFFFFF000  }
0xbc: {  	[hbm4b:s6+s2] =	stream.linear.scatter [tilespmem:s12], [sflag:$0x3], $0x4000, $0x38;
	[tilespmem:$0xB400] =	vst v63  }
0xbd: {  	_ =	swait.ge [sflag:s10], $0x4000  }
0xbe: {  	[sflag:s10] =	ssyncset.done $0x0  }
0xbf: {  	[sflag:s10] =	ssyncadd.s32 $0xFFFFC000  }
0xc0: {  	_ =	swait.ge [sflag:s23], $0x1000  }
0xc1: {  	[sflag:s23] =	ssyncset.done $0x0  }
0xc2: {  	[sflag:s23] =	ssyncadd.s32 $0xFFFFF000  }
0xc3: {  	_ =	swait.ge [sflag:s23], $0x1000  }
0xc4: {  	[sflag:s23] =	ssyncset.done $0x0  }
0xc5: {  	[sflag:s23] =	ssyncadd.s32 $0xFFFFF000  }
0xc6: {  	_ =	swait.ge [sflag:s23], $0x1000  }
0xc7: {  	[sflag:s23] =	ssyncset.done $0x0  }
0xc8: {  	[sflag:s23] =	ssyncadd.s32 $0xFFFFF000  }
0xc9: {  	s29 =	sadd.s32 $0x1, s29;
	_ =	swait.ge [sflag:s23], $0x1000  }
0xca: {  	p0 =	sne.s32 s29, s5;
	[sflag:s23] =	ssyncset.done $0x0  }
.Ltmp1:
0xcb: {  	[sflag:s23] =	ssyncadd.s32 $0xFFFFF000;
	(pc) =	sbr.rel @p0 .LBB2_1-.Ltmp1, $4  }
0xcc: {  	[hbm4b:s7+s2] =	stream.linear.scatter [tilespmem:s18], [sflag:$0x3], $0x4000, $0x38;
	[tilespmem:$0xB400] =	vst v63  }
0xcd: {  	_ =	swait.ge [sflag:s10], $0x4000  }
0xce: {  	[sflag:s10] =	ssyncset.done $0x0  }
0xcf: {  	[sflag:s10] =	ssyncadd.s32 $0xFFFFC000  }
0xd0: {  	_ =	sfence.sel $0x180000  }
0xd1: {  	[bflag:$0x0] =	sbarrier.arrive $0xFFFF  }
0xd2: {  	_ =	strace $0x90000047  }
0xd3: {  	s0 =	stileid.u32;
	[bflag:$0x2] =	sbarrier.arrive $0xFFFF  }
0xd4: {  	p0 =	sne.s32 s0, $0x0;
	s0 =	rddreg [dreg:$0x3]  }
0xd5: {  	s0 =	sadd.s32 @!p0 $0x100000, s0  }
0xd6: {  	[sflag:s0] =	ssyncadd.tile.s32 @!p0 $0x1;
	_ =	shalt  }
.Lfunc_end2:
_tile_overlayer_lowered:
.L_overlay_start_2:
0xd7: {  	(tag) =	ssettag $0x2  }
0xd8: {  	s0 =	rddreg [dreg:$0x0];
	s2 =	stileid.u32  }
0xd9: {  	s1 =	rddreg [dreg:$0x1];
	p0 =	sne.s32 s2, $0x0  }
0xda: {  	s3 =	rddreg [dreg:$0x2];
	[bflag:$0x3] =	sbarrier.arrive $0xFFFF;
	s2 =	simm.s32 @!p0 $0x1C03  }
0xdb: {  	[timem:s3], [sflag:s2] =	dma.local @!p0 [hbm:s0], s1  }
0xdc: {  	s0 =	simm.s32 @!p0 $0x3  }
0xdd: {  	_ =	swait.ge @!p0 [sflag:s0], s1  }
0xde: {  	s1 =	ssub.s32 @!p0 $0x0, s1;
	[sflag:s0] =	ssyncset.done @!p0 $0x0  }
0xdf: {  	[sflag:s0] =	ssyncadd.s32 @!p0 s1  }
0xe0: {  	[bflag:$0x3] =	sbarrier.arrive $0xFFFF  }
0xe1: {  	_ =	shalt  }

// kernel: sparse-core-data-format-call.cloned.1.call-start
scs
called_computation_lowered:
.L_overlay_start_0:
0x0: {  	s2 =	sld [smem:$0x3FD9]  }
0x1: {  	s3 =	sld [smem:$0x3FFE];
	_ =	sdelay $0x1  }
0x2: {  	s1 =	srdreg.scid  }
0x3: {  	s0 =	sand.u32 $0x1, s1  }
0x4: {  	s18 =	sshll.u32 s0, $0xA;
	s2 =	sadd.s32 s3, s2  }
0x5: {  	s2 =	sadd.s32 s2, s18  }
0x6: {  	[smem:$0x3FC6] =	sst s2  }
0x7: {  	_ = 	snop  }
0x8: {  	s2 =	sld [smem:$0x3FD0];
	(tm) =	ssettm $0x1  }
0x9: {  	s19 =	sld [smem:$0x3FFB];
	_ =	sdelay $0x3  }
0xa: {  	_ =	strace s19  }
0xb: {  	s3 =	sld [smem:$0x3FFC];
	_ =	sdelay $0x3  }
0xc: {  	_ =	strace s3  }
0xd: {  	s3 =	sld [smem:$0x3FFD];
	_ =	sdelay $0x3  }
0xe: {  	_ =	strace s3  }
0xf: {  	_ =	strace $0x8FFFFFFF  }
0x10: {  	s20 =	sld [smem:$0x3FDB];
	_ =	sdelay $0x1  }
0x11: {  	s4 =	simm.s32 $_scs_section_size  }
0x12: {  	s5 =	simm.s32 $_size__tile_overlayer_lowered;
	s6 =	simm.s32 $_tile_overlayer_lowered  }
0x13: {  	s23 =	simm.s32 $0x1BFF;
	s22 =	sshll.u32 s6, $0x1;
	s3 =	sadd.s32 s4, s20  }
0x14: {  	s7 =	simm.s32 $0x0;
	s21 =	sshll.u32 s5, $0x1;
	s5 =	sadd.s32 s22, s3  }
0x15: {  	[timem:s7], [sflag:s23] =	dma.local [hbm:s5], s21  }
0x16: {  	_ =	swait.ge [sflag:s23], s21  }
0x17: {  	s4 =	ssub.s32 $0x0, s21;
	[sflag:s23] =	ssyncset.done $0x0  }
0x18: {  	[sflag:s23] =	ssyncadd.s32 s4;
	_ =	sdelay $0x1  }
0x19: {  	s24 =	simm.s32 $0x1B8B  }
0x1a: {  	_ =	swait.ge [sflag:s24], $0x1  }
0x1b: {  	[sflag:s24] =	ssyncset.done $0x0  }
0x1c: {  	s26 =	simm.s32 $0x1B8E;
	s25 =	sld [smem:$0x3FFE];
	[sflag:s24] =	ssyncadd.s32 $0xFFFFFFFF  }
0x1d: {  	s27 =	simm.s32 $execute0_lowered;
	[smem:$0x3FD2] =	sst s26  }
0x1e: {  	s5 =	sshll.u32 s27, $0x1;
	_ =	strace $0x80000049;
	[dreg:$0x1] =	wrdreg $0xFFFFFFFF  }
0x1f: {  	s28 =	simm.s32 $_size_execute0_lowered;
	s3 =	sadd.s32 s3, s5;
	[dreg:$0x0] =	wrdreg $0x0  }
0x20: {  	s5 =	sshll.u32 s28, $0x1;
	[dreg:$0x2] =	wrdreg s3  }
0x21: {  	[dreg:$0x3] =	wrdreg s5  }
0x22: {  	[dreg:$0x4] =	wrdreg $0xC0  }
0x23: {  	_ =	task [dreg:s7], $0x5FFFF  }
0x24: {  	[dreg:$0x1] =	wrdreg $0xFFFFFFFF  }
0x25: {  	[dreg:$0x0] =	wrdreg $0x60  }
0x26: {  	[dreg:$0x2] =	wrdreg s25  }
0x27: {  	[dreg:$0x3] =	wrdreg s2  }
0x28: {  	[dreg:$0x4] =	wrdreg $0x9  }
0x29: {  	_ =	task.clear_ibuf [dreg:s7], $0x5FFFF;
	_ =	strace $0x90000049  }
0x2a: {  	s29 =	simm.s32 $0x9;
	_ =	strace $0x8000004B  }
0x2b: {  	_ =	swait.ge [sflag:s29], $0x1  }
0x2c: {  	[sflag:s29] =	ssyncadd.s32 $0xFFFFFFFF  }
0x2d: {  	_ =	strace $0x9000004B  }
0x2e: {  	_ =	sfence  }
0x2f: {  	s30 =	sld [smem:$0x0];
	_ =	sdelay $0x2  }
0x30: {  	s31 =	sshll.u32 s1, $0xD;
	s1 =	sshrl.u32 s1, $0x2  }
0x31: {  	s3 =	sand.u32 $0x4000, s31;
	s1 =	sadd.s32 s1, s30  }
0x32: {  	s0 =	sor.u32 s3, s0;
	s1 =	sshll.u32 s1, $0x11  }
0x33: {  	s0 =	sor.u32 s1, s0  }
0x34: {  	s0 =	sadd.s32 $0x8F2B, s0  }
0x35: {  	[sflag:s0] =	ssyncadd.remote.s32 $0x1  }
0x36: {  	_ =	sfence.sel $0xFFFF  }
0x37: {  	[dreg:$0x0] =	wrdreg $0xFFFFFFFF;
	(pc) =	sbr.abs _section_cstart, $3  }
0x38: {  	[dreg:$0x1] =	wrdreg $0xFFFFFFFF  }
0x39: {  	_ =	task.clear_ibuf [dreg:s7], $0x2FFFF;
	_ =	strace $0x9FFFFFFF  }
0x3a: {  	(tm) =	ssettm $0x7FFFFFFF  }
0x3b: {  	_ =	shalt  }
tec
execute0_lowered:
.L_overlay_start_1:
0x0: {  	(tag) =	ssettag $0x1  }
0x1: {  	s0 =	srdreg.scid  }
0x2: {  	s1 =	sshll.u32 s0, $0x4  }
0x3: {  	s4 =	rddreg [dreg:$0x0];
	s0 =	stileid.u32;
	s1 =	sand.u32 $0x10, s1  }
0x4: {  	s2 =	rddreg [dreg:$0x1];
	s7 =	simm.s32 $0x1;
	s1 =	sor.u32 s0, s1  }
0x5: {  	s8 =	simm.s32 $0x2;
	s11 =	simm.s32 $0x0;
	s3 =	sshll.u32 s1, $0x7  }
0x6: {  	s10 =	simm.s32 $0x0;
	s4 =	sadd.s32 $0x800, s4;
	s6 =	ssub.s32 $0x68000, s3  }
.Ltmp0:
0x7: {  	s1 =	rddreg [dreg:$0x2];
	s5 =	sand.u32 $0xF80, s6;
	(pc) =	sbr.rel .LBB1_1-.Ltmp0, $4  }
0x8: {  	_ =	strace $0x8000004A;
	s9 =	smov.u32 s3;
	p0 =	sne.s32 s5, $0x0  }
0x9: {  	s6 =	sshrl.u32 s6, $0xC;
	s5 =	simm.s32 $0x1;
	s7 =	simm.s32 @!p0 $0x0  }
0xa: {  	[sflag:s5] =	ssyncpa.u1 $0x0;
	p0 =	por $0x0, $0x0;
	s6 =	sadd.s32 s7, s6  }
0xb: {  	[sflag:s8] =	ssyncpa.u1 $0x0;
	s8 =	simm.s32 $0x340000;
	s7 =	sadd.s32 $0x1, s6  }
.LBB1_4:
0xc: {  	s14 =	sshll.u32 s11, $0x3  }
0xd: {  	s30 =	sand.u32 $0x7F, s11;
	s15 =	sand.u32 $0xFFFFFC00, s14  }
0xe: {  	s11 =	sor.u32 s30, s15  }
0xf: {  	s15 =	smulhi.u32 $0x4EC4EC4F, s11  }
0x10: {  	s14 =	smulhi.u32 $0x4EC4EC4F, s14  }
0x11: {  	s15 =	sshrl.u32 s15, $0x11  }
0x12: {  	s14 =	sshrl.u32 s14, $0x11;
	s15 =	smul.u32 $0x68000, s15  }
0x13: {  	s14 =	sand.u32 $0x1F, s14  }
0x14: {  	s14 =	smul.u32 $0xD000, s14;
	s11 =	ssub.s32 s11, s15  }
0x15: {  	s15 =	sand.u32 $0x7, s11  }
0x16: {  	s14 =	sadd.s32 s2, s14;
	s11 =	sshrl.u32 s11, $0x3;
	s15 =	sshll.u32 s15, $0x12  }
0x17: {  	[tilespmem:s13+$0x0 ss:$0x81] =	vst.msk $0xffff, v0;
	s11 =	sadd.s32 s11, s14;
	s31 =	sor.u32 $0x400, s15  }
0x18: {  	[hbm4b:s11+s31] =	stream.strided.scatter [tilespmem:s12], [sflag:$0x2], $0x1000, s8, s31, $0x20;
	[tilespmem:$0x4040] =	vst v63  }
.LBB1_5:
0x19: {  	s13 =	sadd.s32 $0x1000, s9  }
0x1a: {  	p2 =	sgt.s32 s13, $0x67FFF  }
0x1b: {  	s13 =	smov.u32 @p2 s3;
	p2 =	sne.s32 s10, s7  }
.Ltmp1:
0x1c: {  	p1 =	slt.u32 s10, $0x2;
	(pc) =	sbr.rel @!p2 .LBB1_6-.Ltmp1, $4  }
0x1d: {  	s12 =	simm.s32 @!p1 $0x2  }
0x1e: {  	s14 =	sadd.s32 $0x1, s10;
	_ =	swait.ge @!p1 [sflag:s12], $0x1000  }
0x1f: {  	s11 =	smov.u32 s9;
	p0 =	por !p0, !p0;
	[sflag:s12] =	ssyncset.done @!p1 $0x0  }
0x20: {  	s10 =	smov.u32 s14;
	s9 =	smov.u32 s13;
	[sflag:s12] =	ssyncadd.s32 @!p1 $0xFFFFF000  }
.LBB1_1:
0x21: {  	p1 =	sge.u32 s10, s6  }
0x22: {  	s12 =	sand.u32 @!p1 $0x1FFFFFF, s9  }
0x23: {  	s13 =	smulhi.u32 @!p1 $0x2762763, s12;
	_ =	sdelay $0x1  }
0x24: {  	s13 =	sshrl.u32 @!p1 s13, $0xC  }
0x25: {  	s13 =	smul.u32 @!p1 $0x68000, s13;
	_ =	sdelay $0x1  }
0x26: {  	s31 =	sadd.s32 $0xFFFFFFFF, s10;
	s14 =	sxor.u32 @!p1 $0xFFFFFFFF, s10;
	s12 =	ssub.s32 @!p1 s12, s13  }
0x27: {  	s15 =	simm.s32 @!p1 $0x80;
	s14 =	sshll.u32 @!p1 s14, $0xC;
	s12 =	sshll.u32 @!p1 s12, $0x4  }
0x28: {  	s13 =	sand.u32 @!p1 $0x1000, s14;
	s14 =	simm.s32 @!p1 $0x20;
	s12 =	sadd.s32 @!p1 s4, s12  }
0x29: {  	[tilespmem:s13], [sflag:$0x1] =	stream.strided.gather @!p1 [hbm4b:s12+s14], $0x1000, s15, s14, $0x38;
	[tilespmem:$0x4040] =	vst v63  }
0x2a: {  	p1 =	sge.u32 s31, s6  }
.Ltmp2:
0x2b: {  	_ = 	snop;
	(pc) =	sbr.rel @p1 .LBB1_5-.Ltmp2, $1  }
0x2c: {  	_ =	sdelay $0x3  }
0x2d: {  	s12 =	simm.s32 $0x1  }
0x2e: {  	_ =	swait.ge [sflag:s5], $0x1000;
	s12 =	simm.s32 @!p0 $0x0  }
0x2f: {  	[sflag:s5] =	ssyncset.done $0x0;
	s13 =	sshll.u32 s12, $0xC  }
0x30: {  	[sflag:s5] =	ssyncadd.s32 $0xFFFFF000;
	s16 =	sor.u32 $0x10, s13  }
0x31: {  	s12 =	smul.u32 $0x4080, s12;
	v1 =	vld [tilespmem:s16+$0x0]  }
0x32: {  	s30 =	sand.u32 $0x1, s10;
	v0 =	vld [tilespmem:s16+$0xFFFFFFF0]  }
0x33: {  	s13 =	smul.u32 $0x4080, s30;
	s12 =	sshrl.u32 s12, $0x2  }
0x34: {  	s14 =	sor.u32 $0x2000, s12  }
0x35: {  	s31 =	sshrl.u32 s13, $0x2;
	s13 =	sadd.s32 $0x0, s14  }
0x36: {  	s15 =	simm.s32 $0x4;
	s16 =	sadd.s32 $0x20, s16;
	s12 =	sor.u32 $0x2000, s31;
	[tilespmem:s13+$0x810 ss:$0x81] =	vst.msk $0xffff, v1  }
.LBB1_3:
0x37: {  	v1 =	vld [tilespmem:s16+$0x0];
	p1 =	sne.s32 s15, $0x1FC;
	[tilespmem:s13+$0x0 ss:$0x81] =	vst.msk $0xffff, v0;
	s13 =	smov.u32 s15;
	s15 =	sadd.s32 $0x4, s15  }
.Ltmp3:
0x38: {  	v0 =	vld [tilespmem:s16+$0xFFFFFFF0];
	(pc) =	sbr.rel @p1 .LBB1_3-.Ltmp3, $4  }
0x39: {  	_ = 	snop  }
0x3a: {  	s13 =	sshra.s32 s13, $0x2  }
0x3b: {  	s13 =	sadd.s32 s13, s14  }
0x3c: {  	s16 =	sadd.s32 $0x20, s16;
	[tilespmem:s13+$0x810 ss:$0x81] =	vst.msk $0xffff, v1  }
.Ltmp4:
0x3d: {  	_ = 	snop;
	(pc) =	sbr.rel .LBB1_4-.Ltmp4, $1  }
0x3e: {  	_ =	sdelay $0x3  }
.LBB1_6:
0x3f: {  	_ =	sfence.sel $0x180000  }
0x40: {  	s2 =	simm.s32 $0x1;
	[bflag:$0x0] =	sbarrier.arrive $0xFFFF  }
0x41: {  	s31 =	simm.s32 $0x2;
	[sflag:s2] =	ssyncpa.u1 $0x1  }
0x42: {  	[sflag:s31] =	ssyncpa.u1 $0x1  }
0x43: {  	p0 =	sne.s32 s0, $0x0;
	_ =	strace $0x9000004A  }
0x44: {  	s0 =	sadd.s32 @!p0 $0x100000, s1;
	[bflag:$0x2] =	sbarrier.arrive $0xFFFF  }
0x45: {  	[sflag:s0] =	ssyncadd.tile.s32 @!p0 $0x1;
	_ =	shalt  }
.Lfunc_end1:
_tile_overlayer_lowered:
.L_overlay_start_2:
0x46: {  	(tag) =	ssettag $0x2  }
0x47: {  	s0 =	rddreg [dreg:$0x0];
	s2 =	stileid.u32  }
0x48: {  	s1 =	rddreg [dreg:$0x1];
	p0 =	sne.s32 s2, $0x0  }
0x49: {  	s3 =	rddreg [dreg:$0x2];
	[bflag:$0x3] =	sbarrier.arrive $0xFFFF;
	s2 =	simm.s32 @!p0 $0x1C01  }
0x4a: {  	[timem:s3], [sflag:s2] =	dma.local @!p0 [hbm:s0], s1  }
0x4b: {  	s0 =	simm.s32 @!p0 $0x1  }
0x4c: {  	_ =	swait.ge @!p0 [sflag:s0], s1  }
0x4d: {  	s1 =	ssub.s32 @!p0 $0x0, s1;
	[sflag:s0] =	ssyncset.done @!p0 $0x0  }
0x4e: {  	[sflag:s0] =	ssyncadd.s32 @!p0 s1  }
0x4f: {  	[bflag:$0x3] =	sbarrier.arrive $0xFFFF  }
0x50: {  	_ =	shalt  }

</sc_bundles>
